<compile_context>
chip_gen: v7x
topology: tpu7x:2x2x1
jax: 0.10.2.dev20260603
libtpu: 0.0.44.dev20260713+nightly
codegen_flags: <defaults>
</compile_context>

<pallas_src>
import jax
import jax.numpy as jnp
from jax import lax
from jax.experimental import pallas as pl
from jax.experimental.pallas import tpu as pltpu
from jax.experimental.pallas import tpu_sc as plsc

N = 100000
E = 6400000
NC = 2
NS = 16
NW = NC * NS
EPW = E // NW
CHUNK = 4000
NCHUNK = EPW // CHUNK
PCH = 1000
NPCH = EPW // PCH
RPT = 6256
NPAD = RPT * NS

BR = NPAD

_mesh = plsc.VectorSubcoreMesh(core_axis_name="c", subcore_axis_name="s")


def _deg_body(dst_hbm, zeros_hbm, out_hbm, didx0, didx1, ones, acc,
              isem0, isem1, ssem0, ssem1):
    c = lax.axis_index("c")
    s = lax.axis_index("s")
    wid = s * NC + c
    one16 = jnp.ones((16,), jnp.float32)

    def fill(i, carry):
        ones[pl.ds(i * 16, 16)] = one16
        return carry

    lax.fori_loop(0, CHUNK // 16, fill, 0)
    pltpu.sync_copy(zeros_hbm.at[pl.ds(s * RPT, RPT)],
                    acc.at[pl.ds(s * RPT, RPT)])
    plsc.subcore_barrier()
    base = wid * EPW
    didx = (didx0, didx1)
    isem = (isem0, isem1)
    ssem = (ssem0, ssem1)

    def issue_idx(i, b):
        off = base + i * CHUNK
        pltpu.async_copy(dst_hbm.at[pl.ds(off, CHUNK)], didx[b], isem[b])

    def wait_idx(b):
        pltpu.make_async_copy(dst_hbm.at[pl.ds(0, CHUNK)], didx[b],
                              isem[b]).wait()

    def wait_scatter(b):
        pltpu.make_async_copy(ones, acc.at[didx[b]], ssem[b]).wait()

    issue_idx(0, 0)

    def outer(j, carry):
        for b in range(2):
            i = 2 * j + b
            b2 = 1 - b
            wait_idx(b)
            pltpu.async_copy(ones, acc.at[didx[b]], ssem[b], add=True)

            @pl.when(i + 1 < NCHUNK)
            def _():
                @pl.when(i >= 1)
                def _():
                    wait_scatter(b2)

                issue_idx(i + 1, b2)

        return carry

    lax.fori_loop(0, NCHUNK // 2, outer, 0)
    wait_scatter(0)
    wait_scatter(1)
    plsc.subcore_barrier()
    pltpu.sync_copy(acc.at[pl.ds(s * RPT, RPT)], out_hbm.at[c, s])


_deg_call = pl.kernel(
    _deg_body,
    out_type=jax.ShapeDtypeStruct((NC, NS, RPT), jnp.float32),
    mesh=_mesh,
    compiler_params=pltpu.CompilerParams(use_tc_tiling_on_sc=False),
    scratch_types=[
        pltpu.VMEM((CHUNK,), jnp.int32),
        pltpu.VMEM((CHUNK,), jnp.int32),
        pltpu.VMEM((CHUNK,), jnp.float32),
        pltpu.VMEM_SHARED((NPAD,), jnp.float32),
        pltpu.SemaphoreType.DMA,
        pltpu.SemaphoreType.DMA,
        pltpu.SemaphoreType.DMA,
        pltpu.SemaphoreType.DMA,
    ],
)


def _prop_body(src_hbm, dst_hbm, g_hbm, zeros_hbm, out_hbm,
               sidx0, didx0, rows0, sidx1, didx1, rows1, table, acc,
               isem0, isem1, gsem0, gsem1, ssem0, ssem1):
    c = lax.axis_index("c")
    s = lax.axis_index("s")
    wid = s * NC + c
    sl = pl.ds(s * RPT, RPT)
    pltpu.sync_copy(g_hbm.at[sl], table.at[sl])
    pltpu.sync_copy(zeros_hbm.at[sl], acc.at[sl])
    plsc.subcore_barrier()
    base = wid * EPW
    sidx = (sidx0, sidx1)
    didx = (didx0, didx1)
    rows = (rows0, rows1)
    isem = (isem0, isem1)
    gsem = (gsem0, gsem1)
    ssem = (ssem0, ssem1)

    def issue_idx(i, b):
        off = base + i * PCH
        pltpu.async_copy(src_hbm.at[pl.ds(off, PCH)], sidx[b], isem[b])
        pltpu.async_copy(dst_hbm.at[pl.ds(off, PCH)], didx[b], isem[b])

    def wait_idx(b):
        pltpu.make_async_copy(src_hbm.at[pl.ds(0, PCH)], sidx[b],
                              isem[b]).wait()
        pltpu.make_async_copy(dst_hbm.at[pl.ds(0, PCH)], didx[b],
                              isem[b]).wait()

    def wait_scatter(b):
        pltpu.make_async_copy(rows[b], acc.at[didx[b]], ssem[b]).wait()

    issue_idx(0, 0)

    def outer(j, carry):
        for b in range(2):
            i = 2 * j + b
            b2 = 1 - b
            wait_idx(b)
            gd = pltpu.async_copy(table.at[sidx[b]], rows[b], gsem[b])

            @pl.when(i + 1 < NPCH)
            def _():
                @pl.when(i >= 1)
                def _():
                    wait_scatter(b2)

                issue_idx(i + 1, b2)

            gd.wait()
            pltpu.async_copy(rows[b], acc.at[didx[b]], ssem[b], add=True)
        return carry

    lax.fori_loop(0, NPCH // 2, outer, 0)
    wait_scatter(0)
    wait_scatter(1)
    plsc.subcore_barrier()
    pltpu.sync_copy(acc.at[sl], out_hbm.at[c, sl])


def _make_prop(F):
    return pl.kernel(
        _prop_body,
        out_type=jax.ShapeDtypeStruct((NC, NPAD, F), jnp.float32),
        mesh=_mesh,
        compiler_params=pltpu.CompilerParams(use_tc_tiling_on_sc=False),
        scratch_types=[
            pltpu.VMEM((PCH,), jnp.int32),
            pltpu.VMEM((PCH,), jnp.int32),
            pltpu.VMEM((PCH, F), jnp.float32),
            pltpu.VMEM((PCH,), jnp.int32),
            pltpu.VMEM((PCH,), jnp.int32),
            pltpu.VMEM((PCH, F), jnp.float32),
            pltpu.VMEM_SHARED((NPAD, F), jnp.float32),
            pltpu.VMEM_SHARED((NPAD, F), jnp.float32),
            pltpu.SemaphoreType.DMA,
            pltpu.SemaphoreType.DMA,
            pltpu.SemaphoreType.DMA,
            pltpu.SemaphoreType.DMA,
            pltpu.SemaphoreType.DMA,
            pltpu.SemaphoreType.DMA,
        ],
    )


_prop_call = _make_prop(8)


def _bf(a):
    return a.astype(jnp.bfloat16).astype(jnp.float32)


def _node1_body(degp_ref, xpt_ref, d_ref, g1t_ref):
    deg = degp_ref[0:1, :] + degp_ref[1:2, :] + 1.0
    d = lax.rsqrt(deg)
    d_ref[...] = d
    g1t_ref[...] = _bf(xpt_ref[...]) * d


def _mm(w_ref, a, round_a):
    k_dim = w_ref.shape[1]
    w = _bf(w_ref[...])
    if round_a:
        a = _bf(a)
    acc = w[:, 0:1] * a[0:1, :]
    for k in range(1, k_dim):
        acc = acc + w[:, k:k + 1] * a[k:k + 1, :]
    return acc


def _node2_body(accp_ref, g1t_ref, d_ref, w1t_ref, b1_ref, w2t_ref,
                g2t_ref):
    a = accp_ref[0] + accp_ref[1] + g1t_ref[...]
    px = d_ref[...] * a
    z1 = _mm(w1t_ref, px, round_a=False)
    h1 = jnp.maximum(z1 + b1_ref[...], 0.0)
    q = _mm(w2t_ref, h1, round_a=True)
    g2t_ref[...] = q * d_ref[...]


def _node3_body(accp_ref, g2t_ref, d_ref, b2_ref, wlt_ref, bl_ref,
                out_ref):
    a = accp_ref[0] + accp_ref[1] + g2t_ref[...]
    z2 = d_ref[...] * a + b2_ref[...]
    h2 = jnp.maximum(z2, 0.0)
    out_ref[...] = _mm(wlt_ref, h2, round_a=True) + bl_ref[...]


def _fm_spec(f):
    return pl.BlockSpec((f, BR), lambda i: (0, i))


def _full_spec(shape):
    nd = len(shape)
    return pl.BlockSpec(shape, lambda i: (0,) * nd)


def _part_spec(f):
    return pl.BlockSpec((2, f, BR), lambda i: (0, 0, i))


_GRID = (NPAD // BR,)

_node1_call = pl.pallas_call(
    _node1_body,
    grid=_GRID,
    in_specs=[_fm_spec(2), _fm_spec(8)],
    out_specs=(_fm_spec(1), _fm_spec(8)),
    out_shape=(
        jax.ShapeDtypeStruct((1, NPAD), jnp.float32),
        jax.ShapeDtypeStruct((8, NPAD), jnp.float32),
    ),
)

_node2_call = pl.pallas_call(
    _node2_body,
    grid=_GRID,
    in_specs=[
        _part_spec(8),
        _fm_spec(8),
        _fm_spec(1),
        _full_spec((16, 8)),
        _full_spec((16, 1)),
        _full_spec((8, 16)),
    ],
    out_specs=_fm_spec(8),
    out_shape=jax.ShapeDtypeStruct((8, NPAD), jnp.float32),
)

_node3_call = pl.pallas_call(
    _node3_body,
    grid=_GRID,
    in_specs=[
        _part_spec(8),
        _fm_spec(8),
        _fm_spec(1),
        _full_spec((8, 1)),
        _full_spec((1, 8)),
        _full_spec((1, 1)),
    ],
    out_specs=_fm_spec(1),
    out_shape=jax.ShapeDtypeStruct((1, NPAD), jnp.float32),
)


def kernel(x, edge_index, W1, b1, W2, b2, Wl, bl):
    src = edge_index[0].astype(jnp.int32)
    dst = edge_index[1].astype(jnp.int32)
    xpt = jnp.pad(x.T, ((0, 5), (0, NPAD - N)))
    w1t = jnp.pad(W1, ((0, 5), (0, 0))).T
    zeros1 = jnp.zeros((NPAD,), jnp.float32)
    zeros8 = jnp.zeros((NPAD, 8), jnp.float32)

    degp = _deg_call(dst, zeros1).reshape(NC, NPAD)

    d, g1t = _node1_call(degp, xpt)
    g1 = g1t.T

    acc1 = _prop_call(src, dst, g1, zeros8).transpose(0, 2, 1)
    g2t = _node2_call(acc1, g1t, d, w1t, b1.reshape(16, 1), W2.T)
    g2 = g2t.T

    acc2 = _prop_call(src, dst, g2, zeros8).transpose(0, 2, 1)
    out = _node3_call(acc2, g2t, d, b2.reshape(8, 1), Wl.T,
                      bl.reshape(1, 1))
    return out.T[:N]

# --- scband reference (transcript-rebuilt; emitter-appended) ---
"""Pipeline reference for scband-gnn-51951924412638 (READ-ONLY COPY).

The authoritative reference and input builder live on the scoring server;
editing this copy changes nothing except your own understanding.
"""

import jax, jax.numpy as jnp
import numpy as np

N_NODES = 100000


def gcn_conv(x, edge_index, W, b):
    n = x.shape[0]
    src = edge_index[0]
    dst = edge_index[1]
    # add self-loops (PyG GCNConv default)
    loop = jnp.arange(n, dtype=src.dtype)
    src = jnp.concatenate([src, loop])
    dst = jnp.concatenate([dst, loop])
    # symmetric normalization deg^-1/2 A deg^-1/2
    deg = jnp.zeros((n,), dtype=x.dtype).at[dst].add(1.0)
    deg_inv_sqrt = jnp.where(deg > 0, deg ** -0.5, 0.0)
    norm = deg_inv_sqrt[src] * deg_inv_sqrt[dst]
    # linear transform first, then propagate (matches PyG GCNConv)
    h = x @ W
    msg = h[src] * norm[:, None]
    out = jnp.zeros((n, W.shape[1]), dtype=x.dtype).at[dst].add(msg)
    return out + b


def setup_inputs(seed: int = 0) -> dict:
    key = jax.random.key(seed)
    k_x, k_e, k1, k2, k3 = jax.random.split(key, 5)
    x = jax.random.normal(k_x, (N_NODES, 3), dtype=jnp.float32)
    edge_index = jax.random.randint(k_e, (2, 6400000), 0, N_NODES, dtype=jnp.int64)
    W1 = jax.random.normal(k1, (3, 16), dtype=jnp.float32) * 0.5
    b1 = jnp.zeros((16,), dtype=jnp.float32)
    W2 = jax.random.normal(k2, (16, 8), dtype=jnp.float32) * 0.25
    b2 = jnp.zeros((8,), dtype=jnp.float32)
    Wl = jax.random.normal(k3, (8, 1), dtype=jnp.float32) * 0.35
    bl = jnp.zeros((1,), dtype=jnp.float32)
    return {"x": x, "edge_index": edge_index, "W1": W1, "b1": b1,
            "W2": W2, "b2": b2, "Wl": Wl, "bl": bl}


def reference(x, edge_index, W1, b1, W2, b2, Wl, bl):
    h = jax.nn.relu(gcn_conv(x, edge_index, W1, b1))
    h = jax.nn.relu(gcn_conv(h, edge_index, W2, b2))
    out = h @ Wl + bl
    return out

if __name__ == "__main__":
    import jax
    _d = setup_inputs()
    print(jax.jit(kernel)(*tuple(_d.values())))

</pallas_src>

<mosaic_0001>
#map = affine_map<(d0, d1) -> (0)>
#map1 = affine_map<(d0, d1) -> (0, 0)>
#map2 = affine_map<(d0, d1) -> (0, 0, 0)>
module attributes {stable_mosaic.version = 14 : i64} {
  func.func @_prop_body(%arg0: i32, %arg1: i32, %arg2: memref<6400000xi32, #tpu.memory_space<hbm>>, %arg3: memref<6400000xi32, #tpu.memory_space<hbm>>, %arg4: memref<100096x8xf32, #tpu.memory_space<hbm>>, %arg5: memref<100096x8xf32, #tpu.memory_space<hbm>>, %arg6: memref<2x100096x8xf32, #tpu.memory_space<hbm>>, %arg7: memref<1000xi32, #tpu.memory_space<vmem>>, %arg8: memref<1000xi32, #tpu.memory_space<vmem>>, %arg9: memref<1000x8xf32, #tpu.memory_space<vmem>>, %arg10: memref<1000xi32, #tpu.memory_space<vmem>>, %arg11: memref<1000xi32, #tpu.memory_space<vmem>>, %arg12: memref<1000x8xf32, #tpu.memory_space<vmem>>, %arg13: memref<100096x8xf32, #tpu.memory_space<vmem_shared>>, %arg14: memref<100096x8xf32, #tpu.memory_space<vmem_shared>>, %arg15: memref<!tpu.dma_semaphore, #tpu.memory_space<semaphore_mem>>, %arg16: memref<!tpu.dma_semaphore, #tpu.memory_space<semaphore_mem>>, %arg17: memref<!tpu.dma_semaphore, #tpu.memory_space<semaphore_mem>>, %arg18: memref<!tpu.dma_semaphore, #tpu.memory_space<semaphore_mem>>, %arg19: memref<!tpu.dma_semaphore, #tpu.memory_space<semaphore_mem>>, %arg20: memref<!tpu.dma_semaphore, #tpu.memory_space<semaphore_mem>>) attributes {dimension_semantics = [#tpu.dimension_semantics<core_parallel>, #tpu.dimension_semantics<subcore_parallel>], iteration_bounds = array<i64: 2, 16>, scalar_prefetch = 0 : i64, scratch_operands = 14 : i64, tpu.core_type = #tpu.core_type<sc_vector_subcore>, window_params = [{transform_indices = #map}, {transform_indices = #map}, {transform_indices = #map1}, {transform_indices = #map1}, {transform_indices = #map2}]} {
    %mul3A = arith.constant 2 : i32
    %mul3A_0 = arith.muli %arg1, %mul3A : i32
    %add3A = arith.addi %mul3A_0, %arg0 : i32
    %mul3A_1 = arith.constant 6256 : i32
    %mul3A_2 = arith.muli %arg1, %mul3A_1 : i32
    "tpu.region"() ({
      %run_scoped3A = tpu.sem_alloc : memref<!tpu.dma_semaphore, #tpu.memory_space<semaphore_mem>>
      %dma_start3A_21 = arith.constant 0 : i32
      %dma_start3A_22 = tpu.memref_slice %arg13[%mul3A_2, %dma_start3A_21] : memref<100096x8xf32, #tpu.memory_space<vmem_shared>> -> memref<6256x8xf32, #tpu.memory_space<vmem_shared>>
      %dma_start3A_23 = arith.constant 0 : i32
      %dma_start3A_24 = tpu.memref_slice %arg4[%mul3A_2, %dma_start3A_23] : memref<100096x8xf32, #tpu.memory_space<hbm>> -> memref<6256x8xf32, #tpu.memory_space<hbm>>
      tpu.enqueue_dma source(%dma_start3A_24 : memref<6256x8xf32, #tpu.memory_space<hbm>>) target(%dma_start3A_22 : memref<6256x8xf32, #tpu.memory_space<vmem_shared>>) target_semaphore(%run_scoped3A : memref<!tpu.dma_semaphore, #tpu.memory_space<semaphore_mem>>)
      %dma_wait3A_25 = arith.constant 0 : i32
      %dma_wait3A_26 = tpu.memref_slice %arg13[%mul3A_2, %dma_wait3A_25] : memref<100096x8xf32, #tpu.memory_space<vmem_shared>> -> memref<6256x8xf32, #tpu.memory_space<vmem_shared>>
      %dma_wait3A_27 = arith.constant 0 : i32
      %dma_wait3A_28 = tpu.memref_slice %arg4[%mul3A_2, %dma_wait3A_27] : memref<100096x8xf32, #tpu.memory_space<hbm>> -> memref<6256x8xf32, #tpu.memory_space<hbm>>
      tpu.wait_dma2 semaphore(%run_scoped3A : memref<!tpu.dma_semaphore, #tpu.memory_space<semaphore_mem>>) src(%dma_wait3A_28 : memref<6256x8xf32, #tpu.memory_space<hbm>>) dst(%dma_wait3A_26 : memref<6256x8xf32, #tpu.memory_space<vmem_shared>>)
      tpu.yield
    }) : () -> ()
    "tpu.region"() ({
      %run_scoped3A = tpu.sem_alloc : memref<!tpu.dma_semaphore, #tpu.memory_space<semaphore_mem>>
      %dma_start3A_21 = arith.constant 0 : i32
      %dma_start3A_22 = tpu.memref_slice %arg14[%mul3A_2, %dma_start3A_21] : memref<100096x8xf32, #tpu.memory_space<vmem_shared>> -> memref<6256x8xf32, #tpu.memory_space<vmem_shared>>
      %dma_start3A_23 = arith.constant 0 : i32
      %dma_start3A_24 = tpu.memref_slice %arg5[%mul3A_2, %dma_start3A_23] : memref<100096x8xf32, #tpu.memory_space<hbm>> -> memref<6256x8xf32, #tpu.memory_space<hbm>>
      tpu.enqueue_dma source(%dma_start3A_24 : memref<6256x8xf32, #tpu.memory_space<hbm>>) target(%dma_start3A_22 : memref<6256x8xf32, #tpu.memory_space<vmem_shared>>) target_semaphore(%run_scoped3A : memref<!tpu.dma_semaphore, #tpu.memory_space<semaphore_mem>>)
      %dma_wait3A_25 = arith.constant 0 : i32
      %dma_wait3A_26 = tpu.memref_slice %arg14[%mul3A_2, %dma_wait3A_25] : memref<100096x8xf32, #tpu.memory_space<vmem_shared>> -> memref<6256x8xf32, #tpu.memory_space<vmem_shared>>
      %dma_wait3A_27 = arith.constant 0 : i32
      %dma_wait3A_28 = tpu.memref_slice %arg5[%mul3A_2, %dma_wait3A_27] : memref<100096x8xf32, #tpu.memory_space<hbm>> -> memref<6256x8xf32, #tpu.memory_space<hbm>>
      tpu.wait_dma2 semaphore(%run_scoped3A : memref<!tpu.dma_semaphore, #tpu.memory_space<semaphore_mem>>) src(%dma_wait3A_28 : memref<6256x8xf32, #tpu.memory_space<hbm>>) dst(%dma_wait3A_26 : memref<6256x8xf32, #tpu.memory_space<vmem_shared>>)
      tpu.yield
    }) : () -> ()
    %barrier3A = arith.constant 0 : index
    tpu.barrier barrier_id(%barrier3A)
    %mul3A_3 = arith.constant 200000 : i32
    %mul3A_4 = arith.muli %add3A, %mul3A_3 : i32
    %add3A_5 = arith.constant 0 : i32
    %add3A_6 = arith.addi %mul3A_4, %add3A_5 : i32
    %dma_start3A = tpu.memref_slice %arg2[%add3A_6] : memref<6400000xi32, #tpu.memory_space<hbm>> -> memref<1000xi32, #tpu.memory_space<hbm>>
    %dma_start3A_7 = tpu.memref_slice %arg2[%add3A_6] : memref<6400000xi32, #tpu.memory_space<hbm>> -> memref<1000xi32, #tpu.memory_space<hbm>>
    tpu.enqueue_dma source(%dma_start3A_7 : memref<1000xi32, #tpu.memory_space<hbm>>) target(%arg7 : memref<1000xi32, #tpu.memory_space<vmem>>) target_semaphore(%arg15 : memref<!tpu.dma_semaphore, #tpu.memory_space<semaphore_mem>>)
    %dma_start3A_8 = tpu.memref_slice %arg3[%add3A_6] : memref<6400000xi32, #tpu.memory_space<hbm>> -> memref<1000xi32, #tpu.memory_space<hbm>>
    %dma_start3A_9 = tpu.memref_slice %arg3[%add3A_6] : memref<6400000xi32, #tpu.memory_space<hbm>> -> memref<1000xi32, #tpu.memory_space<hbm>>
    tpu.enqueue_dma source(%dma_start3A_9 : memref<1000xi32, #tpu.memory_space<hbm>>) target(%arg8 : memref<1000xi32, #tpu.memory_space<vmem>>) target_semaphore(%arg15 : memref<!tpu.dma_semaphore, #tpu.memory_space<semaphore_mem>>)
    %scan3A = arith.constant 0 : i32
    %scan3A_10 = arith.constant 0 : i32
    %scan3A_11 = arith.constant 100 : i32
    %scan3A_12 = arith.addi %scan3A_10, %scan3A_11 : i32
    %scan3A_13 = arith.constant 1 : i32
    scf.for %scan3A_21 = %scan3A_10 to %scan3A_12 step %scan3A_13  : i32 {
      %mul3A_22 = arith.constant 2 : i32
      %mul3A_23 = arith.muli %mul3A_22, %scan3A_21 : i32
      %add3A_24 = arith.constant 0 : i32
      %add3A_25 = arith.addi %mul3A_23, %add3A_24 : i32
      %dma_wait3A_26 = arith.constant 0 : i32
      %dma_wait3A_27 = tpu.memref_slice %arg2[%dma_wait3A_26] : memref<6400000xi32, #tpu.memory_space<hbm>> -> memref<1000xi32, #tpu.memory_space<hbm>>
      %dma_wait3A_28 = arith.constant 0 : i32
      %dma_wait3A_29 = tpu.memref_slice %arg2[%dma_wait3A_28] : memref<6400000xi32, #tpu.memory_space<hbm>> -> memref<1000xi32, #tpu.memory_space<hbm>>
      tpu.wait_dma2 semaphore(%arg15 : memref<!tpu.dma_semaphore, #tpu.memory_space<semaphore_mem>>) src(%dma_wait3A_29 : memref<1000xi32, #tpu.memory_space<hbm>>) dst(%arg7 : memref<1000xi32, #tpu.memory_space<vmem>>)
      %dma_wait3A_30 = arith.constant 0 : i32
      %dma_wait3A_31 = tpu.memref_slice %arg3[%dma_wait3A_30] : memref<6400000xi32, #tpu.memory_space<hbm>> -> memref<1000xi32, #tpu.memory_space<hbm>>
      %dma_wait3A_32 = arith.constant 0 : i32
      %dma_wait3A_33 = tpu.memref_slice %arg3[%dma_wait3A_32] : memref<6400000xi32, #tpu.memory_space<hbm>> -> memref<1000xi32, #tpu.memory_space<hbm>>
      tpu.wait_dma2 semaphore(%arg15 : memref<!tpu.dma_semaphore, #tpu.memory_space<semaphore_mem>>) src(%dma_wait3A_33 : memref<1000xi32, #tpu.memory_space<hbm>>) dst(%arg8 : memref<1000xi32, #tpu.memory_space<vmem>>)
      %dma_start3A_34 = arith.constant 0 : i32
      %dma_start3A_35 = arith.constant 0 : i32
      %dma_start3A_36 = tpu.memref_slice %arg13[%dma_start3A_34, %dma_start3A_35] : memref<100096x8xf32, #tpu.memory_space<vmem_shared>> -> memref<100096x8xf32, #tpu.memory_space<vmem_shared>>
      tpu.enqueue_indirect_dma source(%dma_start3A_36 : memref<100096x8xf32, #tpu.memory_space<vmem_shared>>) target(%arg9 : memref<1000x8xf32, #tpu.memory_space<vmem>>) offsets(%arg7 : memref<1000xi32, #tpu.memory_space<vmem>>) semaphore(%arg17 : memref<!tpu.dma_semaphore, #tpu.memory_space<semaphore_mem>>)
      %add3A_37 = arith.constant 1 : i32
      %add3A_38 = arith.addi %add3A_25, %add3A_37 : i32
      %lt3A = arith.constant 200 : i32
      %lt3A_39 = arith.cmpi slt, %add3A_38, %lt3A : i32
      %convert_element_type3A = arith.extui %lt3A_39 : i1 to i32
      %cond3A = arith.constant 0 : i32
      %cond3A_40 = arith.cmpi ne, %convert_element_type3A, %cond3A : i32
      scf.if %cond3A_40 {
        %ge3A = arith.constant 1 : i32
        %ge3A_75 = arith.cmpi sge, %add3A_25, %ge3A : i32
        %convert_element_type3A_76 = arith.extui %ge3A_75 : i1 to i32
        %cond3A_77 = arith.constant 0 : i32
        %cond3A_78 = arith.cmpi ne, %convert_element_type3A_76, %cond3A_77 : i32
        scf.if %cond3A_78 {
          %dma_wait3A_88 = arith.constant 0 : i32
          %dma_wait3A_89 = arith.constant 0 : i32
          %dma_wait3A_90 = tpu.memref_slice %arg14[%dma_wait3A_88, %dma_wait3A_89] : memref<100096x8xf32, #tpu.memory_space<vmem_shared>> -> memref<100096x8xf32, #tpu.memory_space<vmem_shared>>
          tpu.wait_indirect_dma semaphore(%arg20 : memref<!tpu.dma_semaphore, #tpu.memory_space<semaphore_mem>>) src(%arg12 : memref<1000x8xf32, #tpu.memory_space<vmem>>) dst(%dma_wait3A_90 : memref<100096x8xf32, #tpu.memory_space<vmem_shared>>)
        } else {
        }
        %add3A_79 = arith.constant 1 : i32
        %add3A_80 = arith.addi %add3A_25, %add3A_79 : i32
        %mul3A_81 = arith.constant 1000 : i32
        %mul3A_82 = arith.muli %add3A_80, %mul3A_81 : i32
        %add3A_83 = arith.addi %mul3A_4, %mul3A_82 : i32
        %dma_start3A_84 = tpu.memref_slice %arg2[%add3A_83] : memref<6400000xi32, #tpu.memory_space<hbm>> -> memref<1000xi32, #tpu.memory_space<hbm>>
        %dma_start3A_85 = tpu.memref_slice %arg2[%add3A_83] : memref<6400000xi32, #tpu.memory_space<hbm>> -> memref<1000xi32, #tpu.memory_space<hbm>>
        tpu.enqueue_dma source(%dma_start3A_85 : memref<1000xi32, #tpu.memory_space<hbm>>) target(%arg10 : memref<1000xi32, #tpu.memory_space<vmem>>) target_semaphore(%arg16 : memref<!tpu.dma_semaphore, #tpu.memory_space<semaphore_mem>>)
        %dma_start3A_86 = tpu.memref_slice %arg3[%add3A_83] : memref<6400000xi32, #tpu.memory_space<hbm>> -> memref<1000xi32, #tpu.memory_space<hbm>>
        %dma_start3A_87 = tpu.memref_slice %arg3[%add3A_83] : memref<6400000xi32, #tpu.memory_space<hbm>> -> memref<1000xi32, #tpu.memory_space<hbm>>
        tpu.enqueue_dma source(%dma_start3A_87 : memref<1000xi32, #tpu.memory_space<hbm>>) target(%arg11 : memref<1000xi32, #tpu.memory_space<vmem>>) target_semaphore(%arg16 : memref<!tpu.dma_semaphore, #tpu.memory_space<semaphore_mem>>)
      } else {
      }
      %dma_wait3A_41 = arith.constant 0 : i32
      %dma_wait3A_42 = arith.constant 0 : i32
      %dma_wait3A_43 = tpu.memref_slice %arg13[%dma_wait3A_41, %dma_wait3A_42] : memref<100096x8xf32, #tpu.memory_space<vmem_shared>> -> memref<100096x8xf32, #tpu.memory_space<vmem_shared>>
      tpu.wait_indirect_dma semaphore(%arg17 : memref<!tpu.dma_semaphore, #tpu.memory_space<semaphore_mem>>) src(%dma_wait3A_43 : memref<100096x8xf32, #tpu.memory_space<vmem_shared>>) dst(%arg9 : memref<1000x8xf32, #tpu.memory_space<vmem>>)
      %dma_start3A_44 = arith.constant 0 : i32
      %dma_start3A_45 = arith.constant 0 : i32
      %dma_start3A_46 = tpu.memref_slice %arg14[%dma_start3A_44, %dma_start3A_45] : memref<100096x8xf32, #tpu.memory_space<vmem_shared>> -> memref<100096x8xf32, #tpu.memory_space<vmem_shared>>
      tpu.enqueue_indirect_dma source(%arg9 : memref<1000x8xf32, #tpu.memory_space<vmem>>) target(%dma_start3A_46 : memref<100096x8xf32, #tpu.memory_space<vmem_shared>>) offsets(%arg8 : memref<1000xi32, #tpu.memory_space<vmem>>) semaphore(%arg19 : memref<!tpu.dma_semaphore, #tpu.memory_space<semaphore_mem>>) {add = true}
      %mul3A_47 = arith.constant 2 : i32
      %mul3A_48 = arith.muli %mul3A_47, %scan3A_21 : i32
      %add3A_49 = arith.constant 1 : i32
      %add3A_50 = arith.addi %mul3A_48, %add3A_49 : i32
      %dma_wait3A_51 = arith.constant 0 : i32
      %dma_wait3A_52 = tpu.memref_slice %arg2[%dma_wait3A_51] : memref<6400000xi32, #tpu.memory_space<hbm>> -> memref<1000xi32, #tpu.memory_space<hbm>>
      %dma_wait3A_53 = arith.constant 0 : i32
      %dma_wait3A_54 = tpu.memref_slice %arg2[%dma_wait3A_53] : memref<6400000xi32, #tpu.memory_space<hbm>> -> memref<1000xi32, #tpu.memory_space<hbm>>
      tpu.wait_dma2 semaphore(%arg16 : memref<!tpu.dma_semaphore, #tpu.memory_space<semaphore_mem>>) src(%dma_wait3A_54 : memref<1000xi32, #tpu.memory_space<hbm>>) dst(%arg10 : memref<1000xi32, #tpu.memory_space<vmem>>)
      %dma_wait3A_55 = arith.constant 0 : i32
      %dma_wait3A_56 = tpu.memref_slice %arg3[%dma_wait3A_55] : memref<6400000xi32, #tpu.memory_space<hbm>> -> memref<1000xi32, #tpu.memory_space<hbm>>
      %dma_wait3A_57 = arith.constant 0 : i32
      %dma_wait3A_58 = tpu.memref_slice %arg3[%dma_wait3A_57] : memref<6400000xi32, #tpu.memory_space<hbm>> -> memref<1000xi32, #tpu.memory_space<hbm>>
      tpu.wait_dma2 semaphore(%arg16 : memref<!tpu.dma_semaphore, #tpu.memory_space<semaphore_mem>>) src(%dma_wait3A_58 : memref<1000xi32, #tpu.memory_space<hbm>>) dst(%arg11 : memref<1000xi32, #tpu.memory_space<vmem>>)
      %dma_start3A_59 = arith.constant 0 : i32
      %dma_start3A_60 = arith.constant 0 : i32
      %dma_start3A_61 = tpu.memref_slice %arg13[%dma_start3A_59, %dma_start3A_60] : memref<100096x8xf32, #tpu.memory_space<vmem_shared>> -> memref<100096x8xf32, #tpu.memory_space<vmem_shared>>
      tpu.enqueue_indirect_dma source(%dma_start3A_61 : memref<100096x8xf32, #tpu.memory_space<vmem_shared>>) target(%arg12 : memref<1000x8xf32, #tpu.memory_space<vmem>>) offsets(%arg10 : memref<1000xi32, #tpu.memory_space<vmem>>) semaphore(%arg18 : memref<!tpu.dma_semaphore, #tpu.memory_space<semaphore_mem>>)
      %add3A_62 = arith.constant 1 : i32
      %add3A_63 = arith.addi %add3A_50, %add3A_62 : i32
      %lt3A_64 = arith.constant 200 : i32
      %lt3A_65 = arith.cmpi slt, %add3A_63, %lt3A_64 : i32
      %convert_element_type3A_66 = arith.extui %lt3A_65 : i1 to i32
      %cond3A_67 = arith.constant 0 : i32
      %cond3A_68 = arith.cmpi ne, %convert_element_type3A_66, %cond3A_67 : i32
      scf.if %cond3A_68 {
        %ge3A = arith.constant 1 : i32
        %ge3A_75 = arith.cmpi sge, %add3A_50, %ge3A : i32
        %convert_element_type3A_76 = arith.extui %ge3A_75 : i1 to i32
        %cond3A_77 = arith.constant 0 : i32
        %cond3A_78 = arith.cmpi ne, %convert_element_type3A_76, %cond3A_77 : i32
        scf.if %cond3A_78 {
          %dma_wait3A_88 = arith.constant 0 : i32
          %dma_wait3A_89 = arith.constant 0 : i32
          %dma_wait3A_90 = tpu.memref_slice %arg14[%dma_wait3A_88, %dma_wait3A_89] : memref<100096x8xf32, #tpu.memory_space<vmem_shared>> -> memref<100096x8xf32, #tpu.memory_space<vmem_shared>>
          tpu.wait_indirect_dma semaphore(%arg19 : memref<!tpu.dma_semaphore, #tpu.memory_space<semaphore_mem>>) src(%arg9 : memref<1000x8xf32, #tpu.memory_space<vmem>>) dst(%dma_wait3A_90 : memref<100096x8xf32, #tpu.memory_space<vmem_shared>>)
        } else {
        }
        %add3A_79 = arith.constant 1 : i32
        %add3A_80 = arith.addi %add3A_50, %add3A_79 : i32
        %mul3A_81 = arith.constant 1000 : i32
        %mul3A_82 = arith.muli %add3A_80, %mul3A_81 : i32
        %add3A_83 = arith.addi %mul3A_4, %mul3A_82 : i32
        %dma_start3A_84 = tpu.memref_slice %arg2[%add3A_83] : memref<6400000xi32, #tpu.memory_space<hbm>> -> memref<1000xi32, #tpu.memory_space<hbm>>
        %dma_start3A_85 = tpu.memref_slice %arg2[%add3A_83] : memref<6400000xi32, #tpu.memory_space<hbm>> -> memref<1000xi32, #tpu.memory_space<hbm>>
        tpu.enqueue_dma source(%dma_start3A_85 : memref<1000xi32, #tpu.memory_space<hbm>>) target(%arg7 : memref<1000xi32, #tpu.memory_space<vmem>>) target_semaphore(%arg15 : memref<!tpu.dma_semaphore, #tpu.memory_space<semaphore_mem>>)
        %dma_start3A_86 = tpu.memref_slice %arg3[%add3A_83] : memref<6400000xi32, #tpu.memory_space<hbm>> -> memref<1000xi32, #tpu.memory_space<hbm>>
        %dma_start3A_87 = tpu.memref_slice %arg3[%add3A_83] : memref<6400000xi32, #tpu.memory_space<hbm>> -> memref<1000xi32, #tpu.memory_space<hbm>>
        tpu.enqueue_dma source(%dma_start3A_87 : memref<1000xi32, #tpu.memory_space<hbm>>) target(%arg8 : memref<1000xi32, #tpu.memory_space<vmem>>) target_semaphore(%arg15 : memref<!tpu.dma_semaphore, #tpu.memory_space<semaphore_mem>>)
      } else {
      }
      %dma_wait3A_69 = arith.constant 0 : i32
      %dma_wait3A_70 = arith.constant 0 : i32
      %dma_wait3A_71 = tpu.memref_slice %arg13[%dma_wait3A_69, %dma_wait3A_70] : memref<100096x8xf32, #tpu.memory_space<vmem_shared>> -> memref<100096x8xf32, #tpu.memory_space<vmem_shared>>
      tpu.wait_indirect_dma semaphore(%arg18 : memref<!tpu.dma_semaphore, #tpu.memory_space<semaphore_mem>>) src(%dma_wait3A_71 : memref<100096x8xf32, #tpu.memory_space<vmem_shared>>) dst(%arg12 : memref<1000x8xf32, #tpu.memory_space<vmem>>)
      %dma_start3A_72 = arith.constant 0 : i32
      %dma_start3A_73 = arith.constant 0 : i32
      %dma_start3A_74 = tpu.memref_slice %arg14[%dma_start3A_72, %dma_start3A_73] : memref<100096x8xf32, #tpu.memory_space<vmem_shared>> -> memref<100096x8xf32, #tpu.memory_space<vmem_shared>>
      tpu.enqueue_indirect_dma source(%arg12 : memref<1000x8xf32, #tpu.memory_space<vmem>>) target(%dma_start3A_74 : memref<100096x8xf32, #tpu.memory_space<vmem_shared>>) offsets(%arg11 : memref<1000xi32, #tpu.memory_space<vmem>>) semaphore(%arg20 : memref<!tpu.dma_semaphore, #tpu.memory_space<semaphore_mem>>) {add = true}
    }
    %scan3A_14 = arith.constant 100 : i32
    %dma_wait3A = arith.constant 0 : i32
    %dma_wait3A_15 = arith.constant 0 : i32
    %dma_wait3A_16 = tpu.memref_slice %arg14[%dma_wait3A, %dma_wait3A_15] : memref<100096x8xf32, #tpu.memory_space<vmem_shared>> -> memref<100096x8xf32, #tpu.memory_space<vmem_shared>>
    tpu.wait_indirect_dma semaphore(%arg19 : memref<!tpu.dma_semaphore, #tpu.memory_space<semaphore_mem>>) src(%arg9 : memref<1000x8xf32, #tpu.memory_space<vmem>>) dst(%dma_wait3A_16 : memref<100096x8xf32, #tpu.memory_space<vmem_shared>>)
    %dma_wait3A_17 = arith.constant 0 : i32
    %dma_wait3A_18 = arith.constant 0 : i32
    %dma_wait3A_19 = tpu.memref_slice %arg14[%dma_wait3A_17, %dma_wait3A_18] : memref<100096x8xf32, #tpu.memory_space<vmem_shared>> -> memref<100096x8xf32, #tpu.memory_space<vmem_shared>>
    tpu.wait_indirect_dma semaphore(%arg20 : memref<!tpu.dma_semaphore, #tpu.memory_space<semaphore_mem>>) src(%arg12 : memref<1000x8xf32, #tpu.memory_space<vmem>>) dst(%dma_wait3A_19 : memref<100096x8xf32, #tpu.memory_space<vmem_shared>>)
    %barrier3A_20 = arith.constant 0 : index
    tpu.barrier barrier_id(%barrier3A_20)
    "tpu.region"() ({
      %run_scoped3A = tpu.sem_alloc : memref<!tpu.dma_semaphore, #tpu.memory_space<semaphore_mem>>
      %dma_start3A_21 = arith.constant 0 : i32
      %dma_start3A_22 = tpu.memref_slice %arg6[%arg0, %mul3A_2, %dma_start3A_21] : memref<2x100096x8xf32, #tpu.memory_space<hbm>> -> memref<1x6256x8xf32, #tpu.memory_space<hbm>>
      %dma_start3A_23 = tpu.memref_squeeze %dma_start3A_22 : memref<1x6256x8xf32, #tpu.memory_space<hbm>> -> memref<6256x8xf32, #tpu.memory_space<hbm>>
      %dma_start3A_24 = arith.constant 0 : i32
      %dma_start3A_25 = tpu.memref_slice %arg14[%mul3A_2, %dma_start3A_24] : memref<100096x8xf32, #tpu.memory_space<vmem_shared>> -> memref<6256x8xf32, #tpu.memory_space<vmem_shared>>
      tpu.enqueue_dma source(%dma_start3A_25 : memref<6256x8xf32, #tpu.memory_space<vmem_shared>>) target(%dma_start3A_23 : memref<6256x8xf32, #tpu.memory_space<hbm>>) target_semaphore(%run_scoped3A : memref<!tpu.dma_semaphore, #tpu.memory_space<semaphore_mem>>)
      %dma_wait3A_26 = arith.constant 0 : i32
      %dma_wait3A_27 = tpu.memref_slice %arg6[%arg0, %mul3A_2, %dma_wait3A_26] : memref<2x100096x8xf32, #tpu.memory_space<hbm>> -> memref<1x6256x8xf32, #tpu.memory_space<hbm>>
      %dma_wait3A_28 = tpu.memref_squeeze %dma_wait3A_27 : memref<1x6256x8xf32, #tpu.memory_space<hbm>> -> memref<6256x8xf32, #tpu.memory_space<hbm>>
      %dma_wait3A_29 = arith.constant 0 : i32
      %dma_wait3A_30 = tpu.memref_slice %arg14[%mul3A_2, %dma_wait3A_29] : memref<100096x8xf32, #tpu.memory_space<vmem_shared>> -> memref<6256x8xf32, #tpu.memory_space<vmem_shared>>
      tpu.wait_dma2 semaphore(%run_scoped3A : memref<!tpu.dma_semaphore, #tpu.memory_space<semaphore_mem>>) src(%dma_wait3A_30 : memref<6256x8xf32, #tpu.memory_space<vmem_shared>>) dst(%dma_wait3A_28 : memref<6256x8xf32, #tpu.memory_space<hbm>>)
      tpu.yield
    }) : () -> ()
    return
  }
}

#map = affine_map<(d0, d1) -> (0)>
#map1 = affine_map<(d0, d1) -> (0, 0)>
#map2 = affine_map<(d0, d1) -> (0, 0, 0)>
module attributes {stable_mosaic.version = 14 : i64} {
  func.func @_prop_body(%arg0: i32, %arg1: i32, %arg2: memref<6400000xi32, #tpu.memory_space<hbm>>, %arg3: memref<6400000xi32, #tpu.memory_space<hbm>>, %arg4: memref<100096x8xf32, #tpu.memory_space<hbm>>, %arg5: memref<100096x8xf32, #tpu.memory_space<hbm>>, %arg6: memref<2x100096x8xf32, #tpu.memory_space<hbm>>, %arg7: memref<1000xi32, #tpu.memory_space<vmem>>, %arg8: memref<1000xi32, #tpu.memory_space<vmem>>, %arg9: memref<1000x8xf32, #tpu.memory_space<vmem>>, %arg10: memref<1000xi32, #tpu.memory_space<vmem>>, %arg11: memref<1000xi32, #tpu.memory_space<vmem>>, %arg12: memref<1000x8xf32, #tpu.memory_space<vmem>>, %arg13: memref<100096x8xf32, #tpu.memory_space<vmem_shared>>, %arg14: memref<100096x8xf32, #tpu.memory_space<vmem_shared>>, %arg15: memref<!tpu.dma_semaphore, #tpu.memory_space<semaphore_mem>>, %arg16: memref<!tpu.dma_semaphore, #tpu.memory_space<semaphore_mem>>, %arg17: memref<!tpu.dma_semaphore, #tpu.memory_space<semaphore_mem>>, %arg18: memref<!tpu.dma_semaphore, #tpu.memory_space<semaphore_mem>>, %arg19: memref<!tpu.dma_semaphore, #tpu.memory_space<semaphore_mem>>, %arg20: memref<!tpu.dma_semaphore, #tpu.memory_space<semaphore_mem>>) attributes {dimension_semantics = [#tpu.dimension_semantics<core_parallel>, #tpu.dimension_semantics<subcore_parallel>], iteration_bounds = array<i64: 2, 16>, scalar_prefetch = 0 : i64, scratch_operands = 14 : i64, tpu.core_type = #tpu.core_type<sc_vector_subcore>, window_params = [{transform_indices = #map}, {transform_indices = #map}, {transform_indices = #map1}, {transform_indices = #map1}, {transform_indices = #map2}]} {
    %mul3A = arith.constant 2 : i32
    %mul3A_0 = arith.muli %arg1, %mul3A : i32
    %add3A = arith.addi %mul3A_0, %arg0 : i32
    %mul3A_1 = arith.constant 6256 : i32
    %mul3A_2 = arith.muli %arg1, %mul3A_1 : i32
    "tpu.region"() ({
      %run_scoped3A = tpu.sem_alloc : memref<!tpu.dma_semaphore, #tpu.memory_space<semaphore_mem>>
      %dma_start3A_21 = arith.constant 0 : i32
      %dma_start3A_22 = tpu.memref_slice %arg13[%mul3A_2, %dma_start3A_21] : memref<100096x8xf32, #tpu.memory_space<vmem_shared>> -> memref<6256x8xf32, #tpu.memory_space<vmem_shared>>
      %dma_start3A_23 = arith.constant 0 : i32
      %dma_start3A_24 = tpu.memref_slice %arg4[%mul3A_2, %dma_start3A_23] : memref<100096x8xf32, #tpu.memory_space<hbm>> -> memref<6256x8xf32, #tpu.memory_space<hbm>>
      tpu.enqueue_dma source(%dma_start3A_24 : memref<6256x8xf32, #tpu.memory_space<hbm>>) target(%dma_start3A_22 : memref<6256x8xf32, #tpu.memory_space<vmem_shared>>) target_semaphore(%run_scoped3A : memref<!tpu.dma_semaphore, #tpu.memory_space<semaphore_mem>>)
      %dma_wait3A_25 = arith.constant 0 : i32
      %dma_wait3A_26 = tpu.memref_slice %arg13[%mul3A_2, %dma_wait3A_25] : memref<100096x8xf32, #tpu.memory_space<vmem_shared>> -> memref<6256x8xf32, #tpu.memory_space<vmem_shared>>
      %dma_wait3A_27 = arith.constant 0 : i32
      %dma_wait3A_28 = tpu.memref_slice %arg4[%mul3A_2, %dma_wait3A_27] : memref<100096x8xf32, #tpu.memory_space<hbm>> -> memref<6256x8xf32, #tpu.memory_space<hbm>>
      tpu.wait_dma2 semaphore(%run_scoped3A : memref<!tpu.dma_semaphore, #tpu.memory_space<semaphore_mem>>) src(%dma_wait3A_28 : memref<6256x8xf32, #tpu.memory_space<hbm>>) dst(%dma_wait3A_26 : memref<6256x8xf32, #tpu.memory_space<vmem_shared>>)
      tpu.yield
    }) : () -> ()
    "tpu.region"() ({
      %run_scoped3A = tpu.sem_alloc : memref<!tpu.dma_semaphore, #tpu.memory_space<semaphore_mem>>
      %dma_start3A_21 = arith.constant 0 : i32
      %dma_start3A_22 = tpu.memref_slice %arg14[%mul3A_2, %dma_start3A_21] : memref<100096x8xf32, #tpu.memory_space<vmem_shared>> -> memref<6256x8xf32, #tpu.memory_space<vmem_shared>>
      %dma_start3A_23 = arith.constant 0 : i32
      %dma_start3A_24 = tpu.memref_slice %arg5[%mul3A_2, %dma_start3A_23] : memref<100096x8xf32, #tpu.memory_space<hbm>> -> memref<6256x8xf32, #tpu.memory_space<hbm>>
      tpu.enqueue_dma source(%dma_start3A_24 : memref<6256x8xf32, #tpu.memory_space<hbm>>) target(%dma_start3A_22 : memref<6256x8xf32, #tpu.memory_space<vmem_shared>>) target_semaphore(%run_scoped3A : memref<!tpu.dma_semaphore, #tpu.memory_space<semaphore_mem>>)
      %dma_wait3A_25 = arith.constant 0 : i32
      %dma_wait3A_26 = tpu.memref_slice %arg14[%mul3A_2, %dma_wait3A_25] : memref<100096x8xf32, #tpu.memory_space<vmem_shared>> -> memref<6256x8xf32, #tpu.memory_space<vmem_shared>>
      %dma_wait3A_27 = arith.constant 0 : i32
      %dma_wait3A_28 = tpu.memref_slice %arg5[%mul3A_2, %dma_wait3A_27] : memref<100096x8xf32, #tpu.memory_space<hbm>> -> memref<6256x8xf32, #tpu.memory_space<hbm>>
      tpu.wait_dma2 semaphore(%run_scoped3A : memref<!tpu.dma_semaphore, #tpu.memory_space<semaphore_mem>>) src(%dma_wait3A_28 : memref<6256x8xf32, #tpu.memory_space<hbm>>) dst(%dma_wait3A_26 : memref<6256x8xf32, #tpu.memory_space<vmem_shared>>)
      tpu.yield
    }) : () -> ()
    %barrier3A = arith.constant 0 : index
    tpu.barrier barrier_id(%barrier3A)
    %mul3A_3 = arith.constant 200000 : i32
    %mul3A_4 = arith.muli %add3A, %mul3A_3 : i32
    %add3A_5 = arith.constant 0 : i32
    %add3A_6 = arith.addi %mul3A_4, %add3A_5 : i32
    %dma_start3A = tpu.memref_slice %arg2[%add3A_6] : memref<6400000xi32, #tpu.memory_space<hbm>> -> memref<1000xi32, #tpu.memory_space<hbm>>
    %dma_start3A_7 = tpu.memref_slice %arg2[%add3A_6] : memref<6400000xi32, #tpu.memory_space<hbm>> -> memref<1000xi32, #tpu.memory_space<hbm>>
    tpu.enqueue_dma source(%dma_start3A_7 : memref<1000xi32, #tpu.memory_space<hbm>>) target(%arg7 : memref<1000xi32, #tpu.memory_space<vmem>>) target_semaphore(%arg15 : memref<!tpu.dma_semaphore, #tpu.memory_space<semaphore_mem>>)
    %dma_start3A_8 = tpu.memref_slice %arg3[%add3A_6] : memref<6400000xi32, #tpu.memory_space<hbm>> -> memref<1000xi32, #tpu.memory_space<hbm>>
    %dma_start3A_9 = tpu.memref_slice %arg3[%add3A_6] : memref<6400000xi32, #tpu.memory_space<hbm>> -> memref<1000xi32, #tpu.memory_space<hbm>>
    tpu.enqueue_dma source(%dma_start3A_9 : memref<1000xi32, #tpu.memory_space<hbm>>) target(%arg8 : memref<1000xi32, #tpu.memory_space<vmem>>) target_semaphore(%arg15 : memref<!tpu.dma_semaphore, #tpu.memory_space<semaphore_mem>>)
    %scan3A = arith.constant 0 : i32
    %scan3A_10 = arith.constant 0 : i32
    %scan3A_11 = arith.constant 100 : i32
    %scan3A_12 = arith.addi %scan3A_10, %scan3A_11 : i32
    %scan3A_13 = arith.constant 1 : i32
    scf.for %scan3A_21 = %scan3A_10 to %scan3A_12 step %scan3A_13  : i32 {
      %mul3A_22 = arith.constant 2 : i32
      %mul3A_23 = arith.muli %mul3A_22, %scan3A_21 : i32
      %add3A_24 = arith.constant 0 : i32
      %add3A_25 = arith.addi %mul3A_23, %add3A_24 : i32
      %dma_wait3A_26 = arith.constant 0 : i32
      %dma_wait3A_27 = tpu.memref_slice %arg2[%dma_wait3A_26] : memref<6400000xi32, #tpu.memory_space<hbm>> -> memref<1000xi32, #tpu.memory_space<hbm>>
      %dma_wait3A_28 = arith.constant 0 : i32
      %dma_wait3A_29 = tpu.memref_slice %arg2[%dma_wait3A_28] : memref<6400000xi32, #tpu.memory_space<hbm>> -> memref<1000xi32, #tpu.memory_space<hbm>>
      tpu.wait_dma2 semaphore(%arg15 : memref<!tpu.dma_semaphore, #tpu.memory_space<semaphore_mem>>) src(%dma_wait3A_29 : memref<1000xi32, #tpu.memory_space<hbm>>) dst(%arg7 : memref<1000xi32, #tpu.memory_space<vmem>>)
      %dma_wait3A_30 = arith.constant 0 : i32
      %dma_wait3A_31 = tpu.memref_slice %arg3[%dma_wait3A_30] : memref<6400000xi32, #tpu.memory_space<hbm>> -> memref<1000xi32, #tpu.memory_space<hbm>>
      %dma_wait3A_32 = arith.constant 0 : i32
      %dma_wait3A_33 = tpu.memref_slice %arg3[%dma_wait3A_32] : memref<6400000xi32, #tpu.memory_space<hbm>> -> memref<1000xi32, #tpu.memory_space<hbm>>
      tpu.wait_dma2 semaphore(%arg15 : memref<!tpu.dma_semaphore, #tpu.memory_space<semaphore_mem>>) src(%dma_wait3A_33 : memref<1000xi32, #tpu.memory_space<hbm>>) dst(%arg8 : memref<1000xi32, #tpu.memory_space<vmem>>)
      %dma_start3A_34 = arith.constant 0 : i32
      %dma_start3A_35 = arith.constant 0 : i32
      %dma_start3A_36 = tpu.memref_slice %arg13[%dma_start3A_34, %dma_start3A_35] : memref<100096x8xf32, #tpu.memory_space<vmem_shared>> -> memref<100096x8xf32, #tpu.memory_space<vmem_shared>>
      tpu.enqueue_indirect_dma source(%dma_start3A_36 : memref<100096x8xf32, #tpu.memory_space<vmem_shared>>) target(%arg9 : memref<1000x8xf32, #tpu.memory_space<vmem>>) offsets(%arg7 : memref<1000xi32, #tpu.memory_space<vmem>>) semaphore(%arg17 : memref<!tpu.dma_semaphore, #tpu.memory_space<semaphore_mem>>)
      %add3A_37 = arith.constant 1 : i32
      %add3A_38 = arith.addi %add3A_25, %add3A_37 : i32
      %lt3A = arith.constant 200 : i32
      %lt3A_39 = arith.cmpi slt, %add3A_38, %lt3A : i32
      %convert_element_type3A = arith.extui %lt3A_39 : i1 to i32
      %cond3A = arith.constant 0 : i32
      %cond3A_40 = arith.cmpi ne, %convert_element_type3A, %cond3A : i32
      scf.if %cond3A_40 {
        %ge3A = arith.constant 1 : i32
        %ge3A_75 = arith.cmpi sge, %add3A_25, %ge3A : i32
        %convert_element_type3A_76 = arith.extui %ge3A_75 : i1 to i32
        %cond3A_77 = arith.constant 0 : i32
        %cond3A_78 = arith.cmpi ne, %convert_element_type3A_76, %cond3A_77 : i32
        scf.if %cond3A_78 {
          %dma_wait3A_88 = arith.constant 0 : i32
          %dma_wait3A_89 = arith.constant 0 : i32
          %dma_wait3A_90 = tpu.memref_slice %arg14[%dma_wait3A_88, %dma_wait3A_89] : memref<100096x8xf32, #tpu.memory_space<vmem_shared>> -> memref<100096x8xf32, #tpu.memory_space<vmem_shared>>
          tpu.wait_indirect_dma semaphore(%arg20 : memref<!tpu.dma_semaphore, #tpu.memory_space<semaphore_mem>>) src(%arg12 : memref<1000x8xf32, #tpu.memory_space<vmem>>) dst(%dma_wait3A_90 : memref<100096x8xf32, #tpu.memory_space<vmem_shared>>)
        } else {
        }
        %add3A_79 = arith.constant 1 : i32
        %add3A_80 = arith.addi %add3A_25, %add3A_79 : i32
        %mul3A_81 = arith.constant 1000 : i32
        %mul3A_82 = arith.muli %add3A_80, %mul3A_81 : i32
        %add3A_83 = arith.addi %mul3A_4, %mul3A_82 : i32
        %dma_start3A_84 = tpu.memref_slice %arg2[%add3A_83] : memref<6400000xi32, #tpu.memory_space<hbm>> -> memref<1000xi32, #tpu.memory_space<hbm>>
        %dma_start3A_85 = tpu.memref_slice %arg2[%add3A_83] : memref<6400000xi32, #tpu.memory_space<hbm>> -> memref<1000xi32, #tpu.memory_space<hbm>>
        tpu.enqueue_dma source(%dma_start3A_85 : memref<1000xi32, #tpu.memory_space<hbm>>) target(%arg10 : memref<1000xi32, #tpu.memory_space<vmem>>) target_semaphore(%arg16 : memref<!tpu.dma_semaphore, #tpu.memory_space<semaphore_mem>>)
        %dma_start3A_86 = tpu.memref_slice %arg3[%add3A_83] : memref<6400000xi32, #tpu.memory_space<hbm>> -> memref<1000xi32, #tpu.memory_space<hbm>>
        %dma_start3A_87 = tpu.memref_slice %arg3[%add3A_83] : memref<6400000xi32, #tpu.memory_space<hbm>> -> memref<1000xi32, #tpu.memory_space<hbm>>
        tpu.enqueue_dma source(%dma_start3A_87 : memref<1000xi32, #tpu.memory_space<hbm>>) target(%arg11 : memref<1000xi32, #tpu.memory_space<vmem>>) target_semaphore(%arg16 : memref<!tpu.dma_semaphore, #tpu.memory_space<semaphore_mem>>)
      } else {
      }
      %dma_wait3A_41 = arith.constant 0 : i32
      %dma_wait3A_42 = arith.constant 0 : i32
      %dma_wait3A_43 = tpu.memref_slice %arg13[%dma_wait3A_41, %dma_wait3A_42] : memref<100096x8xf32, #tpu.memory_space<vmem_shared>> -> memref<100096x8xf32, #tpu.memory_space<vmem_shared>>
      tpu.wait_indirect_dma semaphore(%arg17 : memref<!tpu.dma_semaphore, #tpu.memory_space<semaphore_mem>>) src(%dma_wait3A_43 : memref<100096x8xf32, #tpu.memory_space<vmem_shared>>) dst(%arg9 : memref<1000x8xf32, #tpu.memory_space<vmem>>)
      %dma_start3A_44 = arith.constant 0 : i32
      %dma_start3A_45 = arith.constant 0 : i32
      %dma_start3A_46 = tpu.memref_slice %arg14[%dma_start3A_44, %dma_start3A_45] : memref<100096x8xf32, #tpu.memory_space<vmem_shared>> -> memref<100096x8xf32, #tpu.memory_space<vmem_shared>>
      tpu.enqueue_indirect_dma source(%arg9 : memref<1000x8xf32, #tpu.memory_space<vmem>>) target(%dma_start3A_46 : memref<100096x8xf32, #tpu.memory_space<vmem_shared>>) offsets(%arg8 : memref<1000xi32, #tpu.memory_space<vmem>>) semaphore(%arg19 : memref<!tpu.dma_semaphore, #tpu.memory_space<semaphore_mem>>) {add = true}
      %mul3A_47 = arith.constant 2 : i32
      %mul3A_48 = arith.muli %mul3A_47, %scan3A_21 : i32
      %add3A_49 = arith.constant 1 : i32
      %add3A_50 = arith.addi %mul3A_48, %add3A_49 : i32
      %dma_wait3A_51 = arith.constant 0 : i32
      %dma_wait3A_52 = tpu.memref_slice %arg2[%dma_wait3A_51] : memref<6400000xi32, #tpu.memory_space<hbm>> -> memref<1000xi32, #tpu.memory_space<hbm>>
      %dma_wait3A_53 = arith.constant 0 : i32
      %dma_wait3A_54 = tpu.memref_slice %arg2[%dma_wait3A_53] : memref<6400000xi32, #tpu.memory_space<hbm>> -> memref<1000xi32, #tpu.memory_space<hbm>>
      tpu.wait_dma2 semaphore(%arg16 : memref<!tpu.dma_semaphore, #tpu.memory_space<semaphore_mem>>) src(%dma_wait3A_54 : memref<1000xi32, #tpu.memory_space<hbm>>) dst(%arg10 : memref<1000xi32, #tpu.memory_space<vmem>>)
      %dma_wait3A_55 = arith.constant 0 : i32
      %dma_wait3A_56 = tpu.memref_slice %arg3[%dma_wait3A_55] : memref<6400000xi32, #tpu.memory_space<hbm>> -> memref<1000xi32, #tpu.memory_space<hbm>>
      %dma_wait3A_57 = arith.constant 0 : i32
      %dma_wait3A_58 = tpu.memref_slice %arg3[%dma_wait3A_57] : memref<6400000xi32, #tpu.memory_space<hbm>> -> memref<1000xi32, #tpu.memory_space<hbm>>
      tpu.wait_dma2 semaphore(%arg16 : memref<!tpu.dma_semaphore, #tpu.memory_space<semaphore_mem>>) src(%dma_wait3A_58 : memref<1000xi32, #tpu.memory_space<hbm>>) dst(%arg11 : memref<1000xi32, #tpu.memory_space<vmem>>)
      %dma_start3A_59 = arith.constant 0 : i32
      %dma_start3A_60 = arith.constant 0 : i32
      %dma_start3A_61 = tpu.memref_slice %arg13[%dma_start3A_59, %dma_start3A_60] : memref<100096x8xf32, #tpu.memory_space<vmem_shared>> -> memref<100096x8xf32, #tpu.memory_space<vmem_shared>>
      tpu.enqueue_indirect_dma source(%dma_start3A_61 : memref<100096x8xf32, #tpu.memory_space<vmem_shared>>) target(%arg12 : memref<1000x8xf32, #tpu.memory_space<vmem>>) offsets(%arg10 : memref<1000xi32, #tpu.memory_space<vmem>>) semaphore(%arg18 : memref<!tpu.dma_semaphore, #tpu.memory_space<semaphore_mem>>)
      %add3A_62 = arith.constant 1 : i32
      %add3A_63 = arith.addi %add3A_50, %add3A_62 : i32
      %lt3A_64 = arith.constant 200 : i32
      %lt3A_65 = arith.cmpi slt, %add3A_63, %lt3A_64 : i32
      %convert_element_type3A_66 = arith.extui %lt3A_65 : i1 to i32
      %cond3A_67 = arith.constant 0 : i32
      %cond3A_68 = arith.cmpi ne, %convert_element_type3A_66, %cond3A_67 : i32
      scf.if %cond3A_68 {
        %ge3A = arith.constant 1 : i32
        %ge3A_75 = arith.cmpi sge, %add3A_50, %ge3A : i32
        %convert_element_type3A_76 = arith.extui %ge3A_75 : i1 to i32
        %cond3A_77 = arith.constant 0 : i32
        %cond3A_78 = arith.cmpi ne, %convert_element_type3A_76, %cond3A_77 : i32
        scf.if %cond3A_78 {
          %dma_wait3A_88 = arith.constant 0 : i32
          %dma_wait3A_89 = arith.constant 0 : i32
          %dma_wait3A_90 = tpu.memref_slice %arg14[%dma_wait3A_88, %dma_wait3A_89] : memref<100096x8xf32, #tpu.memory_space<vmem_shared>> -> memref<100096x8xf32, #tpu.memory_space<vmem_shared>>
          tpu.wait_indirect_dma semaphore(%arg19 : memref<!tpu.dma_semaphore, #tpu.memory_space<semaphore_mem>>) src(%arg9 : memref<1000x8xf32, #tpu.memory_space<vmem>>) dst(%dma_wait3A_90 : memref<100096x8xf32, #tpu.memory_space<vmem_shared>>)
        } else {
        }
        %add3A_79 = arith.constant 1 : i32
        %add3A_80 = arith.addi %add3A_50, %add3A_79 : i32
        %mul3A_81 = arith.constant 1000 : i32
        %mul3A_82 = arith.muli %add3A_80, %mul3A_81 : i32
        %add3A_83 = arith.addi %mul3A_4, %mul3A_82 : i32
        %dma_start3A_84 = tpu.memref_slice %arg2[%add3A_83] : memref<6400000xi32, #tpu.memory_space<hbm>> -> memref<1000xi32, #tpu.memory_space<hbm>>
        %dma_start3A_85 = tpu.memref_slice %arg2[%add3A_83] : memref<6400000xi32, #tpu.memory_space<hbm>> -> memref<1000xi32, #tpu.memory_space<hbm>>
        tpu.enqueue_dma source(%dma_start3A_85 : memref<1000xi32, #tpu.memory_space<hbm>>) target(%arg7 : memref<1000xi32, #tpu.memory_space<vmem>>) target_semaphore(%arg15 : memref<!tpu.dma_semaphore, #tpu.memory_space<semaphore_mem>>)
        %dma_start3A_86 = tpu.memref_slice %arg3[%add3A_83] : memref<6400000xi32, #tpu.memory_space<hbm>> -> memref<1000xi32, #tpu.memory_space<hbm>>
        %dma_start3A_87 = tpu.memref_slice %arg3[%add3A_83] : memref<6400000xi32, #tpu.memory_space<hbm>> -> memref<1000xi32, #tpu.memory_space<hbm>>
        tpu.enqueue_dma source(%dma_start3A_87 : memref<1000xi32, #tpu.memory_space<hbm>>) target(%arg8 : memref<1000xi32, #tpu.memory_space<vmem>>) target_semaphore(%arg15 : memref<!tpu.dma_semaphore, #tpu.memory_space<semaphore_mem>>)
      } else {
      }
      %dma_wait3A_69 = arith.constant 0 : i32
      %dma_wait3A_70 = arith.constant 0 : i32
      %dma_wait3A_71 = tpu.memref_slice %arg13[%dma_wait3A_69, %dma_wait3A_70] : memref<100096x8xf32, #tpu.memory_space<vmem_shared>> -> memref<100096x8xf32, #tpu.memory_space<vmem_shared>>
      tpu.wait_indirect_dma semaphore(%arg18 : memref<!tpu.dma_semaphore, #tpu.memory_space<semaphore_mem>>) src(%dma_wait3A_71 : memref<100096x8xf32, #tpu.memory_space<vmem_shared>>) dst(%arg12 : memref<1000x8xf32, #tpu.memory_space<vmem>>)
      %dma_start3A_72 = arith.constant 0 : i32
      %dma_start3A_73 = arith.constant 0 : i32
      %dma_start3A_74 = tpu.memref_slice %arg14[%dma_start3A_72, %dma_start3A_73] : memref<100096x8xf32, #tpu.memory_space<vmem_shared>> -> memref<100096x8xf32, #tpu.memory_space<vmem_shared>>
      tpu.enqueue_indirect_dma source(%arg12 : memref<1000x8xf32, #tpu.memory_space<vmem>>) target(%dma_start3A_74 : memref<100096x8xf32, #tpu.memory_space<vmem_shared>>) offsets(%arg11 : memref<1000xi32, #tpu.memory_space<vmem>>) semaphore(%arg20 : memref<!tpu.dma_semaphore, #tpu.memory_space<semaphore_mem>>) {add = true}
    }
    %scan3A_14 = arith.constant 100 : i32
    %dma_wait3A = arith.constant 0 : i32
    %dma_wait3A_15 = arith.constant 0 : i32
    %dma_wait3A_16 = tpu.memref_slice %arg14[%dma_wait3A, %dma_wait3A_15] : memref<100096x8xf32, #tpu.memory_space<vmem_shared>> -> memref<100096x8xf32, #tpu.memory_space<vmem_shared>>
    tpu.wait_indirect_dma semaphore(%arg19 : memref<!tpu.dma_semaphore, #tpu.memory_space<semaphore_mem>>) src(%arg9 : memref<1000x8xf32, #tpu.memory_space<vmem>>) dst(%dma_wait3A_16 : memref<100096x8xf32, #tpu.memory_space<vmem_shared>>)
    %dma_wait3A_17 = arith.constant 0 : i32
    %dma_wait3A_18 = arith.constant 0 : i32
    %dma_wait3A_19 = tpu.memref_slice %arg14[%dma_wait3A_17, %dma_wait3A_18] : memref<100096x8xf32, #tpu.memory_space<vmem_shared>> -> memref<100096x8xf32, #tpu.memory_space<vmem_shared>>
    tpu.wait_indirect_dma semaphore(%arg20 : memref<!tpu.dma_semaphore, #tpu.memory_space<semaphore_mem>>) src(%arg12 : memref<1000x8xf32, #tpu.memory_space<vmem>>) dst(%dma_wait3A_19 : memref<100096x8xf32, #tpu.memory_space<vmem_shared>>)
    %barrier3A_20 = arith.constant 0 : index
    tpu.barrier barrier_id(%barrier3A_20)
    "tpu.region"() ({
      %run_scoped3A = tpu.sem_alloc : memref<!tpu.dma_semaphore, #tpu.memory_space<semaphore_mem>>
      %dma_start3A_21 = arith.constant 0 : i32
      %dma_start3A_22 = tpu.memref_slice %arg6[%arg0, %mul3A_2, %dma_start3A_21] : memref<2x100096x8xf32, #tpu.memory_space<hbm>> -> memref<1x6256x8xf32, #tpu.memory_space<hbm>>
      %dma_start3A_23 = tpu.memref_squeeze %dma_start3A_22 : memref<1x6256x8xf32, #tpu.memory_space<hbm>> -> memref<6256x8xf32, #tpu.memory_space<hbm>>
      %dma_start3A_24 = arith.constant 0 : i32
      %dma_start3A_25 = tpu.memref_slice %arg14[%mul3A_2, %dma_start3A_24] : memref<100096x8xf32, #tpu.memory_space<vmem_shared>> -> memref<6256x8xf32, #tpu.memory_space<vmem_shared>>
      tpu.enqueue_dma source(%dma_start3A_25 : memref<6256x8xf32, #tpu.memory_space<vmem_shared>>) target(%dma_start3A_23 : memref<6256x8xf32, #tpu.memory_space<hbm>>) target_semaphore(%run_scoped3A : memref<!tpu.dma_semaphore, #tpu.memory_space<semaphore_mem>>)
      %dma_wait3A_26 = arith.constant 0 : i32
      %dma_wait3A_27 = tpu.memref_slice %arg6[%arg0, %mul3A_2, %dma_wait3A_26] : memref<2x100096x8xf32, #tpu.memory_space<hbm>> -> memref<1x6256x8xf32, #tpu.memory_space<hbm>>
      %dma_wait3A_28 = tpu.memref_squeeze %dma_wait3A_27 : memref<1x6256x8xf32, #tpu.memory_space<hbm>> -> memref<6256x8xf32, #tpu.memory_space<hbm>>
      %dma_wait3A_29 = arith.constant 0 : i32
      %dma_wait3A_30 = tpu.memref_slice %arg14[%mul3A_2, %dma_wait3A_29] : memref<100096x8xf32, #tpu.memory_space<vmem_shared>> -> memref<6256x8xf32, #tpu.memory_space<vmem_shared>>
      tpu.wait_dma2 semaphore(%run_scoped3A : memref<!tpu.dma_semaphore, #tpu.memory_space<semaphore_mem>>) src(%dma_wait3A_30 : memref<6256x8xf32, #tpu.memory_space<vmem_shared>>) dst(%dma_wait3A_28 : memref<6256x8xf32, #tpu.memory_space<hbm>>)
      tpu.yield
    }) : () -> ()
    return
  }
}

#map = affine_map<(d0, d1) -> (0)>
#map1 = affine_map<(d0, d1) -> (0, 0, 0)>
module attributes {stable_mosaic.version = 14 : i64} {
  func.func @_deg_body(%arg0: i32, %arg1: i32, %arg2: memref<6400000xi32, #tpu.memory_space<hbm>>, %arg3: memref<100096xf32, #tpu.memory_space<hbm>>, %arg4: memref<2x16x6256xf32, #tpu.memory_space<hbm>>, %arg5: memref<4000xi32, #tpu.memory_space<vmem>>, %arg6: memref<4000xi32, #tpu.memory_space<vmem>>, %arg7: memref<4000xf32, #tpu.memory_space<vmem>>, %arg8: memref<100096xf32, #tpu.memory_space<vmem_shared>>, %arg9: memref<!tpu.dma_semaphore, #tpu.memory_space<semaphore_mem>>, %arg10: memref<!tpu.dma_semaphore, #tpu.memory_space<semaphore_mem>>, %arg11: memref<!tpu.dma_semaphore, #tpu.memory_space<semaphore_mem>>, %arg12: memref<!tpu.dma_semaphore, #tpu.memory_space<semaphore_mem>>) attributes {dimension_semantics = [#tpu.dimension_semantics<core_parallel>, #tpu.dimension_semantics<subcore_parallel>], iteration_bounds = array<i64: 2, 16>, scalar_prefetch = 0 : i64, scratch_operands = 8 : i64, tpu.core_type = #tpu.core_type<sc_vector_subcore>, window_params = [{transform_indices = #map}, {transform_indices = #map}, {transform_indices = #map1}]} {
    %mul3A = arith.constant 2 : i32
    %mul3A_0 = arith.muli %arg1, %mul3A : i32
    %add3A = arith.addi %mul3A_0, %arg0 : i32
    %broadcast_in_dim3A = arith.constant 1.000000e+00 : f32
    %broadcast_in_dim3A_1 = vector.broadcast %broadcast_in_dim3A : f32 to vector<16xf32>
    %scan3A = arith.constant 0 : i32
    %scan3A_2 = arith.constant 0 : i32
    %scan3A_3 = arith.constant 250 : i32
    %scan3A_4 = arith.addi %scan3A_2, %scan3A_3 : i32
    %scan3A_5 = arith.constant 1 : i32
    scf.for %scan3A_28 = %scan3A_2 to %scan3A_4 step %scan3A_5  : i32 {
      %mul3A_29 = arith.constant 16 : i32
      %mul3A_30 = arith.muli %scan3A_28, %mul3A_29 : i32
      %swap3A = arith.index_cast %mul3A_30 : i32 to index
      %swap3A_31 = tpu.vector_load %arg7[%swap3A] {strides = array<i32>} : memref<4000xf32, #tpu.memory_space<vmem>>, vector<16xf32>,
      %swap3A_32 = vector.shape_cast %swap3A_31 : vector<16xf32> to vector<16xf32>
      %swap3A_33 = vector.shape_cast %broadcast_in_dim3A_1 : vector<16xf32> to vector<16xf32>
      tpu.vector_store %arg7[%swap3A], %swap3A_33 {strides = array<i32>} : memref<4000xf32, #tpu.memory_space<vmem>>, vector<16xf32>,
    }
    %scan3A_6 = arith.constant 250 : i32
    %mul3A_7 = arith.constant 6256 : i32
    %mul3A_8 = arith.muli %arg1, %mul3A_7 : i32
    %mul3A_9 = arith.constant 6256 : i32
    %mul3A_10 = arith.muli %arg1, %mul3A_9 : i32
    "tpu.region"() ({
      %run_scoped3A = tpu.sem_alloc : memref<!tpu.dma_semaphore, #tpu.memory_space<semaphore_mem>>
      %dma_start3A_28 = tpu.memref_slice %arg8[%mul3A_10] : memref<100096xf32, #tpu.memory_space<vmem_shared>> -> memref<6256xf32, #tpu.memory_space<vmem_shared>>
      %dma_start3A_29 = tpu.memref_slice %arg3[%mul3A_8] : memref<100096xf32, #tpu.memory_space<hbm>> -> memref<6256xf32, #tpu.memory_space<hbm>>
      tpu.enqueue_dma source(%dma_start3A_29 : memref<6256xf32, #tpu.memory_space<hbm>>) target(%dma_start3A_28 : memref<6256xf32, #tpu.memory_space<vmem_shared>>) target_semaphore(%run_scoped3A : memref<!tpu.dma_semaphore, #tpu.memory_space<semaphore_mem>>)
      %dma_wait3A_30 = tpu.memref_slice %arg8[%mul3A_10] : memref<100096xf32, #tpu.memory_space<vmem_shared>> -> memref<6256xf32, #tpu.memory_space<vmem_shared>>
      %dma_wait3A_31 = tpu.memref_slice %arg3[%mul3A_8] : memref<100096xf32, #tpu.memory_space<hbm>> -> memref<6256xf32, #tpu.memory_space<hbm>>
      tpu.wait_dma2 semaphore(%run_scoped3A : memref<!tpu.dma_semaphore, #tpu.memory_space<semaphore_mem>>) src(%dma_wait3A_31 : memref<6256xf32, #tpu.memory_space<hbm>>) dst(%dma_wait3A_30 : memref<6256xf32, #tpu.memory_space<vmem_shared>>)
      tpu.yield
    }) : () -> ()
    %barrier3A = arith.constant 0 : index
    tpu.barrier barrier_id(%barrier3A)
    %mul3A_11 = arith.constant 200000 : i32
    %mul3A_12 = arith.muli %add3A, %mul3A_11 : i32
    %add3A_13 = arith.constant 0 : i32
    %add3A_14 = arith.addi %mul3A_12, %add3A_13 : i32
    %dma_start3A = tpu.memref_slice %arg2[%add3A_14] : memref<6400000xi32, #tpu.memory_space<hbm>> -> memref<4000xi32, #tpu.memory_space<hbm>>
    %dma_start3A_15 = tpu.memref_slice %arg2[%add3A_14] : memref<6400000xi32, #tpu.memory_space<hbm>> -> memref<4000xi32, #tpu.memory_space<hbm>>
    tpu.enqueue_dma source(%dma_start3A_15 : memref<4000xi32, #tpu.memory_space<hbm>>) target(%arg5 : memref<4000xi32, #tpu.memory_space<vmem>>) target_semaphore(%arg9 : memref<!tpu.dma_semaphore, #tpu.memory_space<semaphore_mem>>)
    %scan3A_16 = arith.constant 0 : i32
    %scan3A_17 = arith.constant 0 : i32
    %scan3A_18 = arith.constant 25 : i32
    %scan3A_19 = arith.addi %scan3A_17, %scan3A_18 : i32
    %scan3A_20 = arith.constant 1 : i32
    scf.for %scan3A_28 = %scan3A_17 to %scan3A_19 step %scan3A_20  : i32 {
      %mul3A_29 = arith.constant 2 : i32
      %mul3A_30 = arith.muli %mul3A_29, %scan3A_28 : i32
      %add3A_31 = arith.constant 0 : i32
      %add3A_32 = arith.addi %mul3A_30, %add3A_31 : i32
      %dma_wait3A_33 = arith.constant 0 : i32
      %dma_wait3A_34 = tpu.memref_slice %arg2[%dma_wait3A_33] : memref<6400000xi32, #tpu.memory_space<hbm>> -> memref<4000xi32, #tpu.memory_space<hbm>>
      %dma_wait3A_35 = arith.constant 0 : i32
      %dma_wait3A_36 = tpu.memref_slice %arg2[%dma_wait3A_35] : memref<6400000xi32, #tpu.memory_space<hbm>> -> memref<4000xi32, #tpu.memory_space<hbm>>
      tpu.wait_dma2 semaphore(%arg9 : memref<!tpu.dma_semaphore, #tpu.memory_space<semaphore_mem>>) src(%dma_wait3A_36 : memref<4000xi32, #tpu.memory_space<hbm>>) dst(%arg5 : memref<4000xi32, #tpu.memory_space<vmem>>)
      %dma_start3A_37 = arith.constant 0 : i32
      %dma_start3A_38 = tpu.memref_slice %arg8[%dma_start3A_37] : memref<100096xf32, #tpu.memory_space<vmem_shared>> -> memref<100096xf32, #tpu.memory_space<vmem_shared>>
      tpu.enqueue_indirect_dma source(%arg7 : memref<4000xf32, #tpu.memory_space<vmem>>) target(%dma_start3A_38 : memref<100096xf32, #tpu.memory_space<vmem_shared>>) offsets(%arg5 : memref<4000xi32, #tpu.memory_space<vmem>>) semaphore(%arg11 : memref<!tpu.dma_semaphore, #tpu.memory_space<semaphore_mem>>) {add = true}
      %add3A_39 = arith.constant 1 : i32
      %add3A_40 = arith.addi %add3A_32, %add3A_39 : i32
      %lt3A = arith.constant 50 : i32
      %lt3A_41 = arith.cmpi slt, %add3A_40, %lt3A : i32
      %convert_element_type3A = arith.extui %lt3A_41 : i1 to i32
      %cond3A = arith.constant 0 : i32
      %cond3A_42 = arith.cmpi ne, %convert_element_type3A, %cond3A : i32
      scf.if %cond3A_42 {
        %ge3A = arith.constant 1 : i32
        %ge3A_60 = arith.cmpi sge, %add3A_32, %ge3A : i32
        %convert_element_type3A_61 = arith.extui %ge3A_60 : i1 to i32
        %cond3A_62 = arith.constant 0 : i32
        %cond3A_63 = arith.cmpi ne, %convert_element_type3A_61, %cond3A_62 : i32
        scf.if %cond3A_63 {
          %dma_wait3A_71 = arith.constant 0 : i32
          %dma_wait3A_72 = tpu.memref_slice %arg8[%dma_wait3A_71] : memref<100096xf32, #tpu.memory_space<vmem_shared>> -> memref<100096xf32, #tpu.memory_space<vmem_shared>>
          tpu.wait_indirect_dma semaphore(%arg12 : memref<!tpu.dma_semaphore, #tpu.memory_space<semaphore_mem>>) src(%arg7 : memref<4000xf32, #tpu.memory_space<vmem>>) dst(%dma_wait3A_72 : memref<100096xf32, #tpu.memory_space<vmem_shared>>)
        } else {
        }
        %add3A_64 = arith.constant 1 : i32
        %add3A_65 = arith.addi %add3A_32, %add3A_64 : i32
        %mul3A_66 = arith.constant 4000 : i32
        %mul3A_67 = arith.muli %add3A_65, %mul3A_66 : i32
        %add3A_68 = arith.addi %mul3A_12, %mul3A_67 : i32
        %dma_start3A_69 = tpu.memref_slice %arg2[%add3A_68] : memref<6400000xi32, #tpu.memory_space<hbm>> -> memref<4000xi32, #tpu.memory_space<hbm>>
        %dma_start3A_70 = tpu.memref_slice %arg2[%add3A_68] : memref<6400000xi32, #tpu.memory_space<hbm>> -> memref<4000xi32, #tpu.memory_space<hbm>>
        tpu.enqueue_dma source(%dma_start3A_70 : memref<4000xi32, #tpu.memory_space<hbm>>) target(%arg6 : memref<4000xi32, #tpu.memory_space<vmem>>) target_semaphore(%arg10 : memref<!tpu.dma_semaphore, #tpu.memory_space<semaphore_mem>>)
      } else {
      }
      %mul3A_43 = arith.constant 2 : i32
      %mul3A_44 = arith.muli %mul3A_43, %scan3A_28 : i32
      %add3A_45 = arith.constant 1 : i32
      %add3A_46 = arith.addi %mul3A_44, %add3A_45 : i32
      %dma_wait3A_47 = arith.constant 0 : i32
      %dma_wait3A_48 = tpu.memref_slice %arg2[%dma_wait3A_47] : memref<6400000xi32, #tpu.memory_space<hbm>> -> memref<4000xi32, #tpu.memory_space<hbm>>
      %dma_wait3A_49 = arith.constant 0 : i32
      %dma_wait3A_50 = tpu.memref_slice %arg2[%dma_wait3A_49] : memref<6400000xi32, #tpu.memory_space<hbm>> -> memref<4000xi32, #tpu.memory_space<hbm>>
      tpu.wait_dma2 semaphore(%arg10 : memref<!tpu.dma_semaphore, #tpu.memory_space<semaphore_mem>>) src(%dma_wait3A_50 : memref<4000xi32, #tpu.memory_space<hbm>>) dst(%arg6 : memref<4000xi32, #tpu.memory_space<vmem>>)
      %dma_start3A_51 = arith.constant 0 : i32
      %dma_start3A_52 = tpu.memref_slice %arg8[%dma_start3A_51] : memref<100096xf32, #tpu.memory_space<vmem_shared>> -> memref<100096xf32, #tpu.memory_space<vmem_shared>>
      tpu.enqueue_indirect_dma source(%arg7 : memref<4000xf32, #tpu.memory_space<vmem>>) target(%dma_start3A_52 : memref<100096xf32, #tpu.memory_space<vmem_shared>>) offsets(%arg6 : memref<4000xi32, #tpu.memory_space<vmem>>) semaphore(%arg12 : memref<!tpu.dma_semaphore, #tpu.memory_space<semaphore_mem>>) {add = true}
      %add3A_53 = arith.constant 1 : i32
      %add3A_54 = arith.addi %add3A_46, %add3A_53 : i32
      %lt3A_55 = arith.constant 50 : i32
      %lt3A_56 = arith.cmpi slt, %add3A_54, %lt3A_55 : i32
      %convert_element_type3A_57 = arith.extui %lt3A_56 : i1 to i32
      %cond3A_58 = arith.constant 0 : i32
      %cond3A_59 = arith.cmpi ne, %convert_element_type3A_57, %cond3A_58 : i32
      scf.if %cond3A_59 {
        %ge3A = arith.constant 1 : i32
        %ge3A_60 = arith.cmpi sge, %add3A_46, %ge3A : i32
        %convert_element_type3A_61 = arith.extui %ge3A_60 : i1 to i32
        %cond3A_62 = arith.constant 0 : i32
        %cond3A_63 = arith.cmpi ne, %convert_element_type3A_61, %cond3A_62 : i32
        scf.if %cond3A_63 {
          %dma_wait3A_71 = arith.constant 0 : i32
          %dma_wait3A_72 = tpu.memref_slice %arg8[%dma_wait3A_71] : memref<100096xf32, #tpu.memory_space<vmem_shared>> -> memref<100096xf32, #tpu.memory_space<vmem_shared>>
          tpu.wait_indirect_dma semaphore(%arg11 : memref<!tpu.dma_semaphore, #tpu.memory_space<semaphore_mem>>) src(%arg7 : memref<4000xf32, #tpu.memory_space<vmem>>) dst(%dma_wait3A_72 : memref<100096xf32, #tpu.memory_space<vmem_shared>>)
        } else {
        }
        %add3A_64 = arith.constant 1 : i32
        %add3A_65 = arith.addi %add3A_46, %add3A_64 : i32
        %mul3A_66 = arith.constant 4000 : i32
        %mul3A_67 = arith.muli %add3A_65, %mul3A_66 : i32
        %add3A_68 = arith.addi %mul3A_12, %mul3A_67 : i32
        %dma_start3A_69 = tpu.memref_slice %arg2[%add3A_68] : memref<6400000xi32, #tpu.memory_space<hbm>> -> memref<4000xi32, #tpu.memory_space<hbm>>
        %dma_start3A_70 = tpu.memref_slice %arg2[%add3A_68] : memref<6400000xi32, #tpu.memory_space<hbm>> -> memref<4000xi32, #tpu.memory_space<hbm>>
        tpu.enqueue_dma source(%dma_start3A_70 : memref<4000xi32, #tpu.memory_space<hbm>>) target(%arg5 : memref<4000xi32, #tpu.memory_space<vmem>>) target_semaphore(%arg9 : memref<!tpu.dma_semaphore, #tpu.memory_space<semaphore_mem>>)
      } else {
      }
    }
    %scan3A_21 = arith.constant 25 : i32
    %dma_wait3A = arith.constant 0 : i32
    %dma_wait3A_22 = tpu.memref_slice %arg8[%dma_wait3A] : memref<100096xf32, #tpu.memory_space<vmem_shared>> -> memref<100096xf32, #tpu.memory_space<vmem_shared>>
    tpu.wait_indirect_dma semaphore(%arg11 : memref<!tpu.dma_semaphore, #tpu.memory_space<semaphore_mem>>) src(%arg7 : memref<4000xf32, #tpu.memory_space<vmem>>) dst(%dma_wait3A_22 : memref<100096xf32, #tpu.memory_space<vmem_shared>>)
    %dma_wait3A_23 = arith.constant 0 : i32
    %dma_wait3A_24 = tpu.memref_slice %arg8[%dma_wait3A_23] : memref<100096xf32, #tpu.memory_space<vmem_shared>> -> memref<100096xf32, #tpu.memory_space<vmem_shared>>
    tpu.wait_indirect_dma semaphore(%arg12 : memref<!tpu.dma_semaphore, #tpu.memory_space<semaphore_mem>>) src(%arg7 : memref<4000xf32, #tpu.memory_space<vmem>>) dst(%dma_wait3A_24 : memref<100096xf32, #tpu.memory_space<vmem_shared>>)
    %barrier3A_25 = arith.constant 0 : index
    tpu.barrier barrier_id(%barrier3A_25)
    %mul3A_26 = arith.constant 6256 : i32
    %mul3A_27 = arith.muli %arg1, %mul3A_26 : i32
    "tpu.region"() ({
      %run_scoped3A = tpu.sem_alloc : memref<!tpu.dma_semaphore, #tpu.memory_space<semaphore_mem>>
      %dma_start3A_28 = arith.constant 0 : i32
      %dma_start3A_29 = tpu.memref_slice %arg4[%arg0, %arg1, %dma_start3A_28] : memref<2x16x6256xf32, #tpu.memory_space<hbm>> -> memref<1x1x6256xf32, #tpu.memory_space<hbm>>
      %dma_start3A_30 = tpu.memref_squeeze %dma_start3A_29 : memref<1x1x6256xf32, #tpu.memory_space<hbm>> -> memref<6256xf32, #tpu.memory_space<hbm>>
      %dma_start3A_31 = tpu.memref_slice %arg8[%mul3A_27] : memref<100096xf32, #tpu.memory_space<vmem_shared>> -> memref<6256xf32, #tpu.memory_space<vmem_shared>>
      tpu.enqueue_dma source(%dma_start3A_31 : memref<6256xf32, #tpu.memory_space<vmem_shared>>) target(%dma_start3A_30 : memref<6256xf32, #tpu.memory_space<hbm>>) target_semaphore(%run_scoped3A : memref<!tpu.dma_semaphore, #tpu.memory_space<semaphore_mem>>)
      %dma_wait3A_32 = arith.constant 0 : i32
      %dma_wait3A_33 = tpu.memref_slice %arg4[%arg0, %arg1, %dma_wait3A_32] : memref<2x16x6256xf32, #tpu.memory_space<hbm>> -> memref<1x1x6256xf32, #tpu.memory_space<hbm>>
      %dma_wait3A_34 = tpu.memref_squeeze %dma_wait3A_33 : memref<1x1x6256xf32, #tpu.memory_space<hbm>> -> memref<6256xf32, #tpu.memory_space<hbm>>
      %dma_wait3A_35 = tpu.memref_slice %arg8[%mul3A_27] : memref<100096xf32, #tpu.memory_space<vmem_shared>> -> memref<6256xf32, #tpu.memory_space<vmem_shared>>
      tpu.wait_dma2 semaphore(%run_scoped3A : memref<!tpu.dma_semaphore, #tpu.memory_space<semaphore_mem>>) src(%dma_wait3A_35 : memref<6256xf32, #tpu.memory_space<vmem_shared>>) dst(%dma_wait3A_34 : memref<6256xf32, #tpu.memory_space<hbm>>)
      tpu.yield
    }) : () -> ()
    return
  }
}

module attributes {stable_mosaic.version = 14 : i64} {
  func.func @_node1_body(%arg0: i32, %arg1: memref<2x100096xf32, #tpu.memory_space<vmem>>, %arg2: memref<8x100096xf32, #tpu.memory_space<vmem>>, %arg3: memref<1x100096xf32, #tpu.memory_space<vmem>>, %arg4: memref<8x100096xf32, #tpu.memory_space<vmem>>) attributes {dimension_semantics = [#tpu.dimension_semantics<arbitrary>], iteration_bounds = array<i64: 1>, scalar_prefetch = 0 : i64, scratch_operands = 0 : i64, tpu.core_type = #tpu.core_type<tc>, window_params = [{transform_indices = @transform_0, window_bounds = array<i64: 2, 100096>}, {transform_indices = @transform_1, window_bounds = array<i64: 8, 100096>}, {transform_indices = @transform_2, window_bounds = array<i64: 1, 100096>}, {transform_indices = @transform_3, window_bounds = array<i64: 8, 100096>}]} {
    %get3A = arith.constant 0 : index
    %get3A_0 = arith.constant 0 : index
    %get3A_1 = vector.load %arg1[%get3A, %get3A_0] : memref<2x100096xf32, #tpu.memory_space<vmem>>, vector<1x100096xf32>
    %get3A_2 = arith.constant 1 : index
    %get3A_3 = arith.constant 0 : index
    %get3A_4 = vector.load %arg1[%get3A_2, %get3A_3] : memref<2x100096xf32, #tpu.memory_space<vmem>>, vector<1x100096xf32>
    %add3A = arith.addf %get3A_1, %get3A_4 : vector<1x100096xf32>
    %add3A_5 = arith.constant 1.000000e+00 : f32
    %add3A_6 = vector.broadcast %add3A_5 : f32 to vector<1x100096xf32>
    %add3A_7 = arith.addf %add3A, %add3A_6 : vector<1x100096xf32>
    %rsqrt3A = math.rsqrt %add3A_7 : vector<1x100096xf32>
    %swap3A = arith.constant 0 : index
    %swap3A_8 = arith.constant 0 : index
    %swap3A_9 = vector.load %arg3[%swap3A, %swap3A_8] : memref<1x100096xf32, #tpu.memory_space<vmem>>, vector<1x100096xf32>
    tpu.vector_store %arg3[%swap3A, %swap3A_8], %rsqrt3A {strides = array<i32>} : memref<1x100096xf32, #tpu.memory_space<vmem>>, vector<1x100096xf32>,
    %get3A_10 = arith.constant 0 : index
    %get3A_11 = arith.constant 0 : index
    %get3A_12 = vector.load %arg2[%get3A_10, %get3A_11] : memref<8x100096xf32, #tpu.memory_space<vmem>>, vector<8x100096xf32>
    %convert_element_type3A = arith.truncf %get3A_12 : vector<8x100096xf32> to vector<8x100096xbf16>
    %convert_element_type3A_13 = arith.extf %convert_element_type3A : vector<8x100096xbf16> to vector<8x100096xf32>
    %mul3A = vector.broadcast %rsqrt3A : vector<1x100096xf32> to vector<8x100096xf32>
    %mul3A_14 = arith.mulf %convert_element_type3A_13, %mul3A : vector<8x100096xf32>
    %swap3A_15 = arith.constant 0 : index
    %swap3A_16 = arith.constant 0 : index
    %swap3A_17 = vector.load %arg4[%swap3A_15, %swap3A_16] : memref<8x100096xf32, #tpu.memory_space<vmem>>, vector<8x100096xf32>
    tpu.vector_store %arg4[%swap3A_15, %swap3A_16], %mul3A_14 {strides = array<i32>} : memref<8x100096xf32, #tpu.memory_space<vmem>>, vector<8x100096xf32>,
    return
  }
  func.func @transform_0(%arg0: i32) -> (i32, i32) {
    %c0_i32 = arith.constant 0 : i32
    %c0_i32_0 = arith.constant 0 : i32
    return %c0_i32, %arg0 : i32, i32
  }
  func.func @transform_1(%arg0: i32) -> (i32, i32) {
    %c0_i32 = arith.constant 0 : i32
    %c0_i32_0 = arith.constant 0 : i32
    return %c0_i32, %arg0 : i32, i32
  }
  func.func @transform_2(%arg0: i32) -> (i32, i32) {
    %c0_i32 = arith.constant 0 : i32
    %c0_i32_0 = arith.constant 0 : i32
    return %c0_i32, %arg0 : i32, i32
  }
  func.func @transform_3(%arg0: i32) -> (i32, i32) {
    %c0_i32 = arith.constant 0 : i32
    %c0_i32_0 = arith.constant 0 : i32
    return %c0_i32, %arg0 : i32, i32
  }
}

module attributes {stable_mosaic.version = 14 : i64} {
  func.func @_node2_body(%arg0: i32, %arg1: memref<2x8x100096xf32, #tpu.memory_space<vmem>>, %arg2: memref<8x100096xf32, #tpu.memory_space<vmem>>, %arg3: memref<1x100096xf32, #tpu.memory_space<vmem>>, %arg4: memref<16x8xf32, #tpu.memory_space<vmem>>, %arg5: memref<16x1xf32, #tpu.memory_space<vmem>>, %arg6: memref<8x16xf32, #tpu.memory_space<vmem>>, %arg7: memref<8x100096xf32, #tpu.memory_space<vmem>>) attributes {dimension_semantics = [#tpu.dimension_semantics<arbitrary>], iteration_bounds = array<i64: 1>, scalar_prefetch = 0 : i64, scratch_operands = 0 : i64, tpu.core_type = #tpu.core_type<tc>, window_params = [{transform_indices = @transform_0, window_bounds = array<i64: 2, 8, 100096>}, {transform_indices = @transform_1, window_bounds = array<i64: 8, 100096>}, {transform_indices = @transform_2, window_bounds = array<i64: 1, 100096>}, {pipeline_mode = #tpu.pipeline_mode<synchronous>, transform_indices = @transform_3, window_bounds = array<i64: 16, 8>}, {pipeline_mode = #tpu.pipeline_mode<synchronous>, transform_indices = @transform_4, window_bounds = array<i64: 16, 1>}, {pipeline_mode = #tpu.pipeline_mode<synchronous>, transform_indices = @transform_5, window_bounds = array<i64: 8, 16>}, {transform_indices = @transform_6, window_bounds = array<i64: 8, 100096>}]} {
    %get3A = arith.constant 0 : index
    %get3A_0 = arith.constant 0 : index
    %get3A_1 = arith.constant 0 : index
    %get3A_2 = vector.load %arg1[%get3A, %get3A_0, %get3A_1] : memref<2x8x100096xf32, #tpu.memory_space<vmem>>, vector<1x8x100096xf32>
    %get3A_3 = vector.shape_cast %get3A_2 : vector<1x8x100096xf32> to vector<8x100096xf32>
    %get3A_4 = arith.constant 1 : index
    %get3A_5 = arith.constant 0 : index
    %get3A_6 = arith.constant 0 : index
    %get3A_7 = vector.load %arg1[%get3A_4, %get3A_5, %get3A_6] : memref<2x8x100096xf32, #tpu.memory_space<vmem>>, vector<1x8x100096xf32>
    %get3A_8 = vector.shape_cast %get3A_7 : vector<1x8x100096xf32> to vector<8x100096xf32>
    %add3A = arith.addf %get3A_3, %get3A_8 : vector<8x100096xf32>
    %get3A_9 = arith.constant 0 : index
    %get3A_10 = arith.constant 0 : index
    %get3A_11 = vector.load %arg2[%get3A_9, %get3A_10] : memref<8x100096xf32, #tpu.memory_space<vmem>>, vector<8x100096xf32>
    %add3A_12 = arith.addf %add3A, %get3A_11 : vector<8x100096xf32>
    %get3A_13 = arith.constant 0 : index
    %get3A_14 = arith.constant 0 : index
    %get3A_15 = vector.load %arg3[%get3A_13, %get3A_14] : memref<1x100096xf32, #tpu.memory_space<vmem>>, vector<1x100096xf32>
    %mul3A = vector.broadcast %get3A_15 : vector<1x100096xf32> to vector<8x100096xf32>
    %mul3A_16 = arith.mulf %mul3A, %add3A_12 : vector<8x100096xf32>
    %get3A_17 = arith.constant 0 : index
    %get3A_18 = arith.constant 0 : index
    %get3A_19 = vector.load %arg4[%get3A_17, %get3A_18] : memref<16x8xf32, #tpu.memory_space<vmem>>, vector<16x8xf32>
    %convert_element_type3A = arith.truncf %get3A_19 : vector<16x8xf32> to vector<16x8xbf16>
    %convert_element_type3A_20 = arith.extf %convert_element_type3A : vector<16x8xbf16> to vector<16x8xf32>
    %slice3A = vector.extract_strided_slice %convert_element_type3A_20 {offsets = [0, 0], sizes = [16, 1], strides = [1, 1]} : vector<16x8xf32> to vector<16x1xf32>
    %slice3A_21 = vector.extract_strided_slice %mul3A_16 {offsets = [0, 0], sizes = [1, 100096], strides = [1, 1]} : vector<8x100096xf32> to vector<1x100096xf32>
    %mul3A_22 = vector.broadcast %slice3A : vector<16x1xf32> to vector<16x100096xf32>
    %mul3A_23 = vector.broadcast %slice3A_21 : vector<1x100096xf32> to vector<16x100096xf32>
    %mul3A_24 = arith.mulf %mul3A_22, %mul3A_23 : vector<16x100096xf32>
    %slice3A_25 = vector.extract_strided_slice %convert_element_type3A_20 {offsets = [0, 1], sizes = [16, 1], strides = [1, 1]} : vector<16x8xf32> to vector<16x1xf32>
    %slice3A_26 = vector.extract_strided_slice %mul3A_16 {offsets = [1, 0], sizes = [1, 100096], strides = [1, 1]} : vector<8x100096xf32> to vector<1x100096xf32>
    %mul3A_27 = vector.broadcast %slice3A_25 : vector<16x1xf32> to vector<16x100096xf32>
    %mul3A_28 = vector.broadcast %slice3A_26 : vector<1x100096xf32> to vector<16x100096xf32>
    %mul3A_29 = arith.mulf %mul3A_27, %mul3A_28 : vector<16x100096xf32>
    %add3A_30 = arith.addf %mul3A_24, %mul3A_29 : vector<16x100096xf32>
    %slice3A_31 = vector.extract_strided_slice %convert_element_type3A_20 {offsets = [0, 2], sizes = [16, 1], strides = [1, 1]} : vector<16x8xf32> to vector<16x1xf32>
    %slice3A_32 = vector.extract_strided_slice %mul3A_16 {offsets = [2, 0], sizes = [1, 100096], strides = [1, 1]} : vector<8x100096xf32> to vector<1x100096xf32>
    %mul3A_33 = vector.broadcast %slice3A_31 : vector<16x1xf32> to vector<16x100096xf32>
    %mul3A_34 = vector.broadcast %slice3A_32 : vector<1x100096xf32> to vector<16x100096xf32>
    %mul3A_35 = arith.mulf %mul3A_33, %mul3A_34 : vector<16x100096xf32>
    %add3A_36 = arith.addf %add3A_30, %mul3A_35 : vector<16x100096xf32>
    %slice3A_37 = vector.extract_strided_slice %convert_element_type3A_20 {offsets = [0, 3], sizes = [16, 1], strides = [1, 1]} : vector<16x8xf32> to vector<16x1xf32>
    %slice3A_38 = vector.extract_strided_slice %mul3A_16 {offsets = [3, 0], sizes = [1, 100096], strides = [1, 1]} : vector<8x100096xf32> to vector<1x100096xf32>
    %mul3A_39 = vector.broadcast %slice3A_37 : vector<16x1xf32> to vector<16x100096xf32>
    %mul3A_40 = vector.broadcast %slice3A_38 : vector<1x100096xf32> to vector<16x100096xf32>
    %mul3A_41 = arith.mulf %mul3A_39, %mul3A_40 : vector<16x100096xf32>
    %add3A_42 = arith.addf %add3A_36, %mul3A_41 : vector<16x100096xf32>
    %slice3A_43 = vector.extract_strided_slice %convert_element_type3A_20 {offsets = [0, 4], sizes = [16, 1], strides = [1, 1]} : vector<16x8xf32> to vector<16x1xf32>
    %slice3A_44 = vector.extract_strided_slice %mul3A_16 {offsets = [4, 0], sizes = [1, 100096], strides = [1, 1]} : vector<8x100096xf32> to vector<1x100096xf32>
    %mul3A_45 = vector.broadcast %slice3A_43 : vector<16x1xf32> to vector<16x100096xf32>
    %mul3A_46 = vector.broadcast %slice3A_44 : vector<1x100096xf32> to vector<16x100096xf32>
    %mul3A_47 = arith.mulf %mul3A_45, %mul3A_46 : vector<16x100096xf32>
    %add3A_48 = arith.addf %add3A_42, %mul3A_47 : vector<16x100096xf32>
    %slice3A_49 = vector.extract_strided_slice %convert_element_type3A_20 {offsets = [0, 5], sizes = [16, 1], strides = [1, 1]} : vector<16x8xf32> to vector<16x1xf32>
    %slice3A_50 = vector.extract_strided_slice %mul3A_16 {offsets = [5, 0], sizes = [1, 100096], strides = [1, 1]} : vector<8x100096xf32> to vector<1x100096xf32>
    %mul3A_51 = vector.broadcast %slice3A_49 : vector<16x1xf32> to vector<16x100096xf32>
    %mul3A_52 = vector.broadcast %slice3A_50 : vector<1x100096xf32> to vector<16x100096xf32>
    %mul3A_53 = arith.mulf %mul3A_51, %mul3A_52 : vector<16x100096xf32>
    %add3A_54 = arith.addf %add3A_48, %mul3A_53 : vector<16x100096xf32>
    %slice3A_55 = vector.extract_strided_slice %convert_element_type3A_20 {offsets = [0, 6], sizes = [16, 1], strides = [1, 1]} : vector<16x8xf32> to vector<16x1xf32>
    %slice3A_56 = vector.extract_strided_slice %mul3A_16 {offsets = [6, 0], sizes = [1, 100096], strides = [1, 1]} : vector<8x100096xf32> to vector<1x100096xf32>
    %mul3A_57 = vector.broadcast %slice3A_55 : vector<16x1xf32> to vector<16x100096xf32>
    %mul3A_58 = vector.broadcast %slice3A_56 : vector<1x100096xf32> to vector<16x100096xf32>
    %mul3A_59 = arith.mulf %mul3A_57, %mul3A_58 : vector<16x100096xf32>
    %add3A_60 = arith.addf %add3A_54, %mul3A_59 : vector<16x100096xf32>
    %slice3A_61 = vector.extract_strided_slice %convert_element_type3A_20 {offsets = [0, 7], sizes = [16, 1], strides = [1, 1]} : vector<16x8xf32> to vector<16x1xf32>
    %slice3A_62 = vector.extract_strided_slice %mul3A_16 {offsets = [7, 0], sizes = [1, 100096], strides = [1, 1]} : vector<8x100096xf32> to vector<1x100096xf32>
    %mul3A_63 = vector.broadcast %slice3A_61 : vector<16x1xf32> to vector<16x100096xf32>
    %mul3A_64 = vector.broadcast %slice3A_62 : vector<1x100096xf32> to vector<16x100096xf32>
    %mul3A_65 = arith.mulf %mul3A_63, %mul3A_64 : vector<16x100096xf32>
    %add3A_66 = arith.addf %add3A_60, %mul3A_65 : vector<16x100096xf32>
    %get3A_67 = arith.constant 0 : index
    %get3A_68 = arith.constant 0 : index
    %get3A_69 = vector.load %arg5[%get3A_67, %get3A_68] : memref<16x1xf32, #tpu.memory_space<vmem>>, vector<16x1xf32>
    %add3A_70 = vector.broadcast %get3A_69 : vector<16x1xf32> to vector<16x100096xf32>
    %add3A_71 = arith.addf %add3A_66, %add3A_70 : vector<16x100096xf32>
    %max3A = arith.constant 0.000000e+00 : f32
    %max3A_72 = vector.broadcast %max3A : f32 to vector<16x100096xf32>
    %max3A_73 = arith.maximumf %add3A_71, %max3A_72 : vector<16x100096xf32>
    %get3A_74 = arith.constant 0 : index
    %get3A_75 = arith.constant 0 : index
    %get3A_76 = vector.load %arg6[%get3A_74, %get3A_75] : memref<8x16xf32, #tpu.memory_space<vmem>>, vector<8x16xf32>
    %convert_element_type3A_77 = arith.truncf %get3A_76 : vector<8x16xf32> to vector<8x16xbf16>
    %convert_element_type3A_78 = arith.extf %convert_element_type3A_77 : vector<8x16xbf16> to vector<8x16xf32>
    %convert_element_type3A_79 = arith.truncf %max3A_73 : vector<16x100096xf32> to vector<16x100096xbf16>
    %convert_element_type3A_80 = arith.extf %convert_element_type3A_79 : vector<16x100096xbf16> to vector<16x100096xf32>
    %slice3A_81 = vector.extract_strided_slice %convert_element_type3A_78 {offsets = [0, 0], sizes = [8, 1], strides = [1, 1]} : vector<8x16xf32> to vector<8x1xf32>
    %slice3A_82 = vector.extract_strided_slice %convert_element_type3A_80 {offsets = [0, 0], sizes = [1, 100096], strides = [1, 1]} : vector<16x100096xf32> to vector<1x100096xf32>
    %mul3A_83 = vector.broadcast %slice3A_81 : vector<8x1xf32> to vector<8x100096xf32>
    %mul3A_84 = vector.broadcast %slice3A_82 : vector<1x100096xf32> to vector<8x100096xf32>
    %mul3A_85 = arith.mulf %mul3A_83, %mul3A_84 : vector<8x100096xf32>
    %slice3A_86 = vector.extract_strided_slice %convert_element_type3A_78 {offsets = [0, 1], sizes = [8, 1], strides = [1, 1]} : vector<8x16xf32> to vector<8x1xf32>
    %slice3A_87 = vector.extract_strided_slice %convert_element_type3A_80 {offsets = [1, 0], sizes = [1, 100096], strides = [1, 1]} : vector<16x100096xf32> to vector<1x100096xf32>
    %mul3A_88 = vector.broadcast %slice3A_86 : vector<8x1xf32> to vector<8x100096xf32>
    %mul3A_89 = vector.broadcast %slice3A_87 : vector<1x100096xf32> to vector<8x100096xf32>
    %mul3A_90 = arith.mulf %mul3A_88, %mul3A_89 : vector<8x100096xf32>
    %add3A_91 = arith.addf %mul3A_85, %mul3A_90 : vector<8x100096xf32>
    %slice3A_92 = vector.extract_strided_slice %convert_element_type3A_78 {offsets = [0, 2], sizes = [8, 1], strides = [1, 1]} : vector<8x16xf32> to vector<8x1xf32>
    %slice3A_93 = vector.extract_strided_slice %convert_element_type3A_80 {offsets = [2, 0], sizes = [1, 100096], strides = [1, 1]} : vector<16x100096xf32> to vector<1x100096xf32>
    %mul3A_94 = vector.broadcast %slice3A_92 : vector<8x1xf32> to vector<8x100096xf32>
    %mul3A_95 = vector.broadcast %slice3A_93 : vector<1x100096xf32> to vector<8x100096xf32>
    %mul3A_96 = arith.mulf %mul3A_94, %mul3A_95 : vector<8x100096xf32>
    %add3A_97 = arith.addf %add3A_91, %mul3A_96 : vector<8x100096xf32>
    %slice3A_98 = vector.extract_strided_slice %convert_element_type3A_78 {offsets = [0, 3], sizes = [8, 1], strides = [1, 1]} : vector<8x16xf32> to vector<8x1xf32>
    %slice3A_99 = vector.extract_strided_slice %convert_element_type3A_80 {offsets = [3, 0], sizes = [1, 100096], strides = [1, 1]} : vector<16x100096xf32> to vector<1x100096xf32>
    %mul3A_100 = vector.broadcast %slice3A_98 : vector<8x1xf32> to vector<8x100096xf32>
    %mul3A_101 = vector.broadcast %slice3A_99 : vector<1x100096xf32> to vector<8x100096xf32>
    %mul3A_102 = arith.mulf %mul3A_100, %mul3A_101 : vector<8x100096xf32>
    %add3A_103 = arith.addf %add3A_97, %mul3A_102 : vector<8x100096xf32>
    %slice3A_104 = vector.extract_strided_slice %convert_element_type3A_78 {offsets = [0, 4], sizes = [8, 1], strides = [1, 1]} : vector<8x16xf32> to vector<8x1xf32>
    %slice3A_105 = vector.extract_strided_slice %convert_element_type3A_80 {offsets = [4, 0], sizes = [1, 100096], strides = [1, 1]} : vector<16x100096xf32> to vector<1x100096xf32>
    %mul3A_106 = vector.broadcast %slice3A_104 : vector<8x1xf32> to vector<8x100096xf32>
    %mul3A_107 = vector.broadcast %slice3A_105 : vector<1x100096xf32> to vector<8x100096xf32>
    %mul3A_108 = arith.mulf %mul3A_106, %mul3A_107 : vector<8x100096xf32>
    %add3A_109 = arith.addf %add3A_103, %mul3A_108 : vector<8x100096xf32>
    %slice3A_110 = vector.extract_strided_slice %convert_element_type3A_78 {offsets = [0, 5], sizes = [8, 1], strides = [1, 1]} : vector<8x16xf32> to vector<8x1xf32>
    %slice3A_111 = vector.extract_strided_slice %convert_element_type3A_80 {offsets = [5, 0], sizes = [1, 100096], strides = [1, 1]} : vector<16x100096xf32> to vector<1x100096xf32>
    %mul3A_112 = vector.broadcast %slice3A_110 : vector<8x1xf32> to vector<8x100096xf32>
    %mul3A_113 = vector.broadcast %slice3A_111 : vector<1x100096xf32> to vector<8x100096xf32>
    %mul3A_114 = arith.mulf %mul3A_112, %mul3A_113 : vector<8x100096xf32>
    %add3A_115 = arith.addf %add3A_109, %mul3A_114 : vector<8x100096xf32>
    %slice3A_116 = vector.extract_strided_slice %convert_element_type3A_78 {offsets = [0, 6], sizes = [8, 1], strides = [1, 1]} : vector<8x16xf32> to vector<8x1xf32>
    %slice3A_117 = vector.extract_strided_slice %convert_element_type3A_80 {offsets = [6, 0], sizes = [1, 100096], strides = [1, 1]} : vector<16x100096xf32> to vector<1x100096xf32>
    %mul3A_118 = vector.broadcast %slice3A_116 : vector<8x1xf32> to vector<8x100096xf32>
    %mul3A_119 = vector.broadcast %slice3A_117 : vector<1x100096xf32> to vector<8x100096xf32>
    %mul3A_120 = arith.mulf %mul3A_118, %mul3A_119 : vector<8x100096xf32>
    %add3A_121 = arith.addf %add3A_115, %mul3A_120 : vector<8x100096xf32>
    %slice3A_122 = vector.extract_strided_slice %convert_element_type3A_78 {offsets = [0, 7], sizes = [8, 1], strides = [1, 1]} : vector<8x16xf32> to vector<8x1xf32>
    %slice3A_123 = vector.extract_strided_slice %convert_element_type3A_80 {offsets = [7, 0], sizes = [1, 100096], strides = [1, 1]} : vector<16x100096xf32> to vector<1x100096xf32>
    %mul3A_124 = vector.broadcast %slice3A_122 : vector<8x1xf32> to vector<8x100096xf32>
    %mul3A_125 = vector.broadcast %slice3A_123 : vector<1x100096xf32> to vector<8x100096xf32>
    %mul3A_126 = arith.mulf %mul3A_124, %mul3A_125 : vector<8x100096xf32>
    %add3A_127 = arith.addf %add3A_121, %mul3A_126 : vector<8x100096xf32>
    %slice3A_128 = vector.extract_strided_slice %convert_element_type3A_78 {offsets = [0, 8], sizes = [8, 1], strides = [1, 1]} : vector<8x16xf32> to vector<8x1xf32>
    %slice3A_129 = vector.extract_strided_slice %convert_element_type3A_80 {offsets = [8, 0], sizes = [1, 100096], strides = [1, 1]} : vector<16x100096xf32> to vector<1x100096xf32>
    %mul3A_130 = vector.broadcast %slice3A_128 : vector<8x1xf32> to vector<8x100096xf32>
    %mul3A_131 = vector.broadcast %slice3A_129 : vector<1x100096xf32> to vector<8x100096xf32>
    %mul3A_132 = arith.mulf %mul3A_130, %mul3A_131 : vector<8x100096xf32>
    %add3A_133 = arith.addf %add3A_127, %mul3A_132 : vector<8x100096xf32>
    %slice3A_134 = vector.extract_strided_slice %convert_element_type3A_78 {offsets = [0, 9], sizes = [8, 1], strides = [1, 1]} : vector<8x16xf32> to vector<8x1xf32>
    %slice3A_135 = vector.extract_strided_slice %convert_element_type3A_80 {offsets = [9, 0], sizes = [1, 100096], strides = [1, 1]} : vector<16x100096xf32> to vector<1x100096xf32>
    %mul3A_136 = vector.broadcast %slice3A_134 : vector<8x1xf32> to vector<8x100096xf32>
    %mul3A_137 = vector.broadcast %slice3A_135 : vector<1x100096xf32> to vector<8x100096xf32>
    %mul3A_138 = arith.mulf %mul3A_136, %mul3A_137 : vector<8x100096xf32>
    %add3A_139 = arith.addf %add3A_133, %mul3A_138 : vector<8x100096xf32>
    %slice3A_140 = vector.extract_strided_slice %convert_element_type3A_78 {offsets = [0, 10], sizes = [8, 1], strides = [1, 1]} : vector<8x16xf32> to vector<8x1xf32>
    %slice3A_141 = vector.extract_strided_slice %convert_element_type3A_80 {offsets = [10, 0], sizes = [1, 100096], strides = [1, 1]} : vector<16x100096xf32> to vector<1x100096xf32>
    %mul3A_142 = vector.broadcast %slice3A_140 : vector<8x1xf32> to vector<8x100096xf32>
    %mul3A_143 = vector.broadcast %slice3A_141 : vector<1x100096xf32> to vector<8x100096xf32>
    %mul3A_144 = arith.mulf %mul3A_142, %mul3A_143 : vector<8x100096xf32>
    %add3A_145 = arith.addf %add3A_139, %mul3A_144 : vector<8x100096xf32>
    %slice3A_146 = vector.extract_strided_slice %convert_element_type3A_78 {offsets = [0, 11], sizes = [8, 1], strides = [1, 1]} : vector<8x16xf32> to vector<8x1xf32>
    %slice3A_147 = vector.extract_strided_slice %convert_element_type3A_80 {offsets = [11, 0], sizes = [1, 100096], strides = [1, 1]} : vector<16x100096xf32> to vector<1x100096xf32>
    %mul3A_148 = vector.broadcast %slice3A_146 : vector<8x1xf32> to vector<8x100096xf32>
    %mul3A_149 = vector.broadcast %slice3A_147 : vector<1x100096xf32> to vector<8x100096xf32>
    %mul3A_150 = arith.mulf %mul3A_148, %mul3A_149 : vector<8x100096xf32>
    %add3A_151 = arith.addf %add3A_145, %mul3A_150 : vector<8x100096xf32>
    %slice3A_152 = vector.extract_strided_slice %convert_element_type3A_78 {offsets = [0, 12], sizes = [8, 1], strides = [1, 1]} : vector<8x16xf32> to vector<8x1xf32>
    %slice3A_153 = vector.extract_strided_slice %convert_element_type3A_80 {offsets = [12, 0], sizes = [1, 100096], strides = [1, 1]} : vector<16x100096xf32> to vector<1x100096xf32>
    %mul3A_154 = vector.broadcast %slice3A_152 : vector<8x1xf32> to vector<8x100096xf32>
    %mul3A_155 = vector.broadcast %slice3A_153 : vector<1x100096xf32> to vector<8x100096xf32>
    %mul3A_156 = arith.mulf %mul3A_154, %mul3A_155 : vector<8x100096xf32>
    %add3A_157 = arith.addf %add3A_151, %mul3A_156 : vector<8x100096xf32>
    %slice3A_158 = vector.extract_strided_slice %convert_element_type3A_78 {offsets = [0, 13], sizes = [8, 1], strides = [1, 1]} : vector<8x16xf32> to vector<8x1xf32>
    %slice3A_159 = vector.extract_strided_slice %convert_element_type3A_80 {offsets = [13, 0], sizes = [1, 100096], strides = [1, 1]} : vector<16x100096xf32> to vector<1x100096xf32>
    %mul3A_160 = vector.broadcast %slice3A_158 : vector<8x1xf32> to vector<8x100096xf32>
    %mul3A_161 = vector.broadcast %slice3A_159 : vector<1x100096xf32> to vector<8x100096xf32>
    %mul3A_162 = arith.mulf %mul3A_160, %mul3A_161 : vector<8x100096xf32>
    %add3A_163 = arith.addf %add3A_157, %mul3A_162 : vector<8x100096xf32>
    %slice3A_164 = vector.extract_strided_slice %convert_element_type3A_78 {offsets = [0, 14], sizes = [8, 1], strides = [1, 1]} : vector<8x16xf32> to vector<8x1xf32>
    %slice3A_165 = vector.extract_strided_slice %convert_element_type3A_80 {offsets = [14, 0], sizes = [1, 100096], strides = [1, 1]} : vector<16x100096xf32> to vector<1x100096xf32>
    %mul3A_166 = vector.broadcast %slice3A_164 : vector<8x1xf32> to vector<8x100096xf32>
    %mul3A_167 = vector.broadcast %slice3A_165 : vector<1x100096xf32> to vector<8x100096xf32>
    %mul3A_168 = arith.mulf %mul3A_166, %mul3A_167 : vector<8x100096xf32>
    %add3A_169 = arith.addf %add3A_163, %mul3A_168 : vector<8x100096xf32>
    %slice3A_170 = vector.extract_strided_slice %convert_element_type3A_78 {offsets = [0, 15], sizes = [8, 1], strides = [1, 1]} : vector<8x16xf32> to vector<8x1xf32>
    %slice3A_171 = vector.extract_strided_slice %convert_element_type3A_80 {offsets = [15, 0], sizes = [1, 100096], strides = [1, 1]} : vector<16x100096xf32> to vector<1x100096xf32>
    %mul3A_172 = vector.broadcast %slice3A_170 : vector<8x1xf32> to vector<8x100096xf32>
    %mul3A_173 = vector.broadcast %slice3A_171 : vector<1x100096xf32> to vector<8x100096xf32>
    %mul3A_174 = arith.mulf %mul3A_172, %mul3A_173 : vector<8x100096xf32>
    %add3A_175 = arith.addf %add3A_169, %mul3A_174 : vector<8x100096xf32>
    %get3A_176 = arith.constant 0 : index
    %get3A_177 = arith.constant 0 : index
    %get3A_178 = vector.load %arg3[%get3A_176, %get3A_177] : memref<1x100096xf32, #tpu.memory_space<vmem>>, vector<1x100096xf32>
    %mul3A_179 = vector.broadcast %get3A_178 : vector<1x100096xf32> to vector<8x100096xf32>
    %mul3A_180 = arith.mulf %add3A_175, %mul3A_179 : vector<8x100096xf32>
    %swap3A = arith.constant 0 : index
    %swap3A_181 = arith.constant 0 : index
    %swap3A_182 = vector.load %arg7[%swap3A, %swap3A_181] : memref<8x100096xf32, #tpu.memory_space<vmem>>, vector<8x100096xf32>
    tpu.vector_store %arg7[%swap3A, %swap3A_181], %mul3A_180 {strides = array<i32>} : memref<8x100096xf32, #tpu.memory_space<vmem>>, vector<8x100096xf32>,
    return
  }
  func.func @transform_0(%arg0: i32) -> (i32, i32, i32) {
    %c0_i32 = arith.constant 0 : i32
    %c0_i32_0 = arith.constant 0 : i32
    %c0_i32_1 = arith.constant 0 : i32
    return %c0_i32, %c0_i32_0, %arg0 : i32, i32, i32
  }
  func.func @transform_1(%arg0: i32) -> (i32, i32) {
    %c0_i32 = arith.constant 0 : i32
    %c0_i32_0 = arith.constant 0 : i32
    return %c0_i32, %arg0 : i32, i32
  }
  func.func @transform_2(%arg0: i32) -> (i32, i32) {
    %c0_i32 = arith.constant 0 : i32
    %c0_i32_0 = arith.constant 0 : i32
    return %c0_i32, %arg0 : i32, i32
  }
  func.func @transform_3(%arg0: i32) -> (i32, i32) {
    %c0_i32 = arith.constant 0 : i32
    %c0_i32_0 = arith.constant 0 : i32
    %c0_i32_1 = arith.constant 0 : i32
    return %c0_i32, %c0_i32_0 : i32, i32
  }
  func.func @transform_4(%arg0: i32) -> (i32, i32) {
    %c0_i32 = arith.constant 0 : i32
    %c0_i32_0 = arith.constant 0 : i32
    %c0_i32_1 = arith.constant 0 : i32
    return %c0_i32, %c0_i32_0 : i32, i32
  }
  func.func @transform_5(%arg0: i32) -> (i32, i32) {
    %c0_i32 = arith.constant 0 : i32
    %c0_i32_0 = arith.constant 0 : i32
    %c0_i32_1 = arith.constant 0 : i32
    return %c0_i32, %c0_i32_0 : i32, i32
  }
  func.func @transform_6(%arg0: i32) -> (i32, i32) {
    %c0_i32 = arith.constant 0 : i32
    %c0_i32_0 = arith.constant 0 : i32
    return %c0_i32, %arg0 : i32, i32
  }
}

module attributes {stable_mosaic.version = 14 : i64} {
  func.func @_node3_body(%arg0: i32, %arg1: memref<2x8x100096xf32, #tpu.memory_space<vmem>>, %arg2: memref<8x100096xf32, #tpu.memory_space<vmem>>, %arg3: memref<1x100096xf32, #tpu.memory_space<vmem>>, %arg4: memref<8x1xf32, #tpu.memory_space<vmem>>, %arg5: memref<1x8xf32, #tpu.memory_space<vmem>>, %arg6: memref<1x1xf32, #tpu.memory_space<vmem>>, %arg7: memref<1x100096xf32, #tpu.memory_space<vmem>>) attributes {dimension_semantics = [#tpu.dimension_semantics<arbitrary>], iteration_bounds = array<i64: 1>, scalar_prefetch = 0 : i64, scratch_operands = 0 : i64, tpu.core_type = #tpu.core_type<tc>, window_params = [{transform_indices = @transform_0, window_bounds = array<i64: 2, 8, 100096>}, {transform_indices = @transform_1, window_bounds = array<i64: 8, 100096>}, {transform_indices = @transform_2, window_bounds = array<i64: 1, 100096>}, {pipeline_mode = #tpu.pipeline_mode<synchronous>, transform_indices = @transform_3, window_bounds = array<i64: 8, 1>}, {pipeline_mode = #tpu.pipeline_mode<synchronous>, transform_indices = @transform_4, window_bounds = array<i64: 1, 8>}, {pipeline_mode = #tpu.pipeline_mode<synchronous>, transform_indices = @transform_5, window_bounds = array<i64: 1, 1>}, {transform_indices = @transform_6, window_bounds = array<i64: 1, 100096>}]} {
    %get3A = arith.constant 0 : index
    %get3A_0 = arith.constant 0 : index
    %get3A_1 = arith.constant 0 : index
    %get3A_2 = vector.load %arg1[%get3A, %get3A_0, %get3A_1] : memref<2x8x100096xf32, #tpu.memory_space<vmem>>, vector<1x8x100096xf32>
    %get3A_3 = vector.shape_cast %get3A_2 : vector<1x8x100096xf32> to vector<8x100096xf32>
    %get3A_4 = arith.constant 1 : index
    %get3A_5 = arith.constant 0 : index
    %get3A_6 = arith.constant 0 : index
    %get3A_7 = vector.load %arg1[%get3A_4, %get3A_5, %get3A_6] : memref<2x8x100096xf32, #tpu.memory_space<vmem>>, vector<1x8x100096xf32>
    %get3A_8 = vector.shape_cast %get3A_7 : vector<1x8x100096xf32> to vector<8x100096xf32>
    %add3A = arith.addf %get3A_3, %get3A_8 : vector<8x100096xf32>
    %get3A_9 = arith.constant 0 : index
    %get3A_10 = arith.constant 0 : index
    %get3A_11 = vector.load %arg2[%get3A_9, %get3A_10] : memref<8x100096xf32, #tpu.memory_space<vmem>>, vector<8x100096xf32>
    %add3A_12 = arith.addf %add3A, %get3A_11 : vector<8x100096xf32>
    %get3A_13 = arith.constant 0 : index
    %get3A_14 = arith.constant 0 : index
    %get3A_15 = vector.load %arg3[%get3A_13, %get3A_14] : memref<1x100096xf32, #tpu.memory_space<vmem>>, vector<1x100096xf32>
    %mul3A = vector.broadcast %get3A_15 : vector<1x100096xf32> to vector<8x100096xf32>
    %mul3A_16 = arith.mulf %mul3A, %add3A_12 : vector<8x100096xf32>
    %get3A_17 = arith.constant 0 : index
    %get3A_18 = arith.constant 0 : index
    %get3A_19 = vector.load %arg4[%get3A_17, %get3A_18] : memref<8x1xf32, #tpu.memory_space<vmem>>, vector<8x1xf32>
    %add3A_20 = vector.broadcast %get3A_19 : vector<8x1xf32> to vector<8x100096xf32>
    %add3A_21 = arith.addf %mul3A_16, %add3A_20 : vector<8x100096xf32>
    %max3A = arith.constant 0.000000e+00 : f32
    %max3A_22 = vector.broadcast %max3A : f32 to vector<8x100096xf32>
    %max3A_23 = arith.maximumf %add3A_21, %max3A_22 : vector<8x100096xf32>
    %get3A_24 = arith.constant 0 : index
    %get3A_25 = arith.constant 0 : index
    %get3A_26 = vector.load %arg5[%get3A_24, %get3A_25] : memref<1x8xf32, #tpu.memory_space<vmem>>, vector<1x8xf32>
    %convert_element_type3A = arith.truncf %get3A_26 : vector<1x8xf32> to vector<1x8xbf16>
    %convert_element_type3A_27 = arith.extf %convert_element_type3A : vector<1x8xbf16> to vector<1x8xf32>
    %convert_element_type3A_28 = arith.truncf %max3A_23 : vector<8x100096xf32> to vector<8x100096xbf16>
    %convert_element_type3A_29 = arith.extf %convert_element_type3A_28 : vector<8x100096xbf16> to vector<8x100096xf32>
    %slice3A = vector.extract_strided_slice %convert_element_type3A_27 {offsets = [0, 0], sizes = [1, 1], strides = [1, 1]} : vector<1x8xf32> to vector<1x1xf32>
    %slice3A_30 = vector.extract_strided_slice %convert_element_type3A_29 {offsets = [0, 0], sizes = [1, 100096], strides = [1, 1]} : vector<8x100096xf32> to vector<1x100096xf32>
    %mul3A_31 = vector.broadcast %slice3A : vector<1x1xf32> to vector<1x100096xf32>
    %mul3A_32 = arith.mulf %mul3A_31, %slice3A_30 : vector<1x100096xf32>
    %slice3A_33 = vector.extract_strided_slice %convert_element_type3A_27 {offsets = [0, 1], sizes = [1, 1], strides = [1, 1]} : vector<1x8xf32> to vector<1x1xf32>
    %slice3A_34 = vector.extract_strided_slice %convert_element_type3A_29 {offsets = [1, 0], sizes = [1, 100096], strides = [1, 1]} : vector<8x100096xf32> to vector<1x100096xf32>
    %mul3A_35 = vector.broadcast %slice3A_33 : vector<1x1xf32> to vector<1x100096xf32>
    %mul3A_36 = arith.mulf %mul3A_35, %slice3A_34 : vector<1x100096xf32>
    %add3A_37 = arith.addf %mul3A_32, %mul3A_36 : vector<1x100096xf32>
    %slice3A_38 = vector.extract_strided_slice %convert_element_type3A_27 {offsets = [0, 2], sizes = [1, 1], strides = [1, 1]} : vector<1x8xf32> to vector<1x1xf32>
    %slice3A_39 = vector.extract_strided_slice %convert_element_type3A_29 {offsets = [2, 0], sizes = [1, 100096], strides = [1, 1]} : vector<8x100096xf32> to vector<1x100096xf32>
    %mul3A_40 = vector.broadcast %slice3A_38 : vector<1x1xf32> to vector<1x100096xf32>
    %mul3A_41 = arith.mulf %mul3A_40, %slice3A_39 : vector<1x100096xf32>
    %add3A_42 = arith.addf %add3A_37, %mul3A_41 : vector<1x100096xf32>
    %slice3A_43 = vector.extract_strided_slice %convert_element_type3A_27 {offsets = [0, 3], sizes = [1, 1], strides = [1, 1]} : vector<1x8xf32> to vector<1x1xf32>
    %slice3A_44 = vector.extract_strided_slice %convert_element_type3A_29 {offsets = [3, 0], sizes = [1, 100096], strides = [1, 1]} : vector<8x100096xf32> to vector<1x100096xf32>
    %mul3A_45 = vector.broadcast %slice3A_43 : vector<1x1xf32> to vector<1x100096xf32>
    %mul3A_46 = arith.mulf %mul3A_45, %slice3A_44 : vector<1x100096xf32>
    %add3A_47 = arith.addf %add3A_42, %mul3A_46 : vector<1x100096xf32>
    %slice3A_48 = vector.extract_strided_slice %convert_element_type3A_27 {offsets = [0, 4], sizes = [1, 1], strides = [1, 1]} : vector<1x8xf32> to vector<1x1xf32>
    %slice3A_49 = vector.extract_strided_slice %convert_element_type3A_29 {offsets = [4, 0], sizes = [1, 100096], strides = [1, 1]} : vector<8x100096xf32> to vector<1x100096xf32>
    %mul3A_50 = vector.broadcast %slice3A_48 : vector<1x1xf32> to vector<1x100096xf32>
    %mul3A_51 = arith.mulf %mul3A_50, %slice3A_49 : vector<1x100096xf32>
    %add3A_52 = arith.addf %add3A_47, %mul3A_51 : vector<1x100096xf32>
    %slice3A_53 = vector.extract_strided_slice %convert_element_type3A_27 {offsets = [0, 5], sizes = [1, 1], strides = [1, 1]} : vector<1x8xf32> to vector<1x1xf32>
    %slice3A_54 = vector.extract_strided_slice %convert_element_type3A_29 {offsets = [5, 0], sizes = [1, 100096], strides = [1, 1]} : vector<8x100096xf32> to vector<1x100096xf32>
    %mul3A_55 = vector.broadcast %slice3A_53 : vector<1x1xf32> to vector<1x100096xf32>
    %mul3A_56 = arith.mulf %mul3A_55, %slice3A_54 : vector<1x100096xf32>
    %add3A_57 = arith.addf %add3A_52, %mul3A_56 : vector<1x100096xf32>
    %slice3A_58 = vector.extract_strided_slice %convert_element_type3A_27 {offsets = [0, 6], sizes = [1, 1], strides = [1, 1]} : vector<1x8xf32> to vector<1x1xf32>
    %slice3A_59 = vector.extract_strided_slice %convert_element_type3A_29 {offsets = [6, 0], sizes = [1, 100096], strides = [1, 1]} : vector<8x100096xf32> to vector<1x100096xf32>
    %mul3A_60 = vector.broadcast %slice3A_58 : vector<1x1xf32> to vector<1x100096xf32>
    %mul3A_61 = arith.mulf %mul3A_60, %slice3A_59 : vector<1x100096xf32>
    %add3A_62 = arith.addf %add3A_57, %mul3A_61 : vector<1x100096xf32>
    %slice3A_63 = vector.extract_strided_slice %convert_element_type3A_27 {offsets = [0, 7], sizes = [1, 1], strides = [1, 1]} : vector<1x8xf32> to vector<1x1xf32>
    %slice3A_64 = vector.extract_strided_slice %convert_element_type3A_29 {offsets = [7, 0], sizes = [1, 100096], strides = [1, 1]} : vector<8x100096xf32> to vector<1x100096xf32>
    %mul3A_65 = vector.broadcast %slice3A_63 : vector<1x1xf32> to vector<1x100096xf32>
    %mul3A_66 = arith.mulf %mul3A_65, %slice3A_64 : vector<1x100096xf32>
    %add3A_67 = arith.addf %add3A_62, %mul3A_66 : vector<1x100096xf32>
    %get3A_68 = arith.constant 0 : index
    %get3A_69 = arith.constant 0 : index
    %get3A_70 = vector.load %arg6[%get3A_68, %get3A_69] : memref<1x1xf32, #tpu.memory_space<vmem>>, vector<1x1xf32>
    %add3A_71 = vector.broadcast %get3A_70 : vector<1x1xf32> to vector<1x100096xf32>
    %add3A_72 = arith.addf %add3A_67, %add3A_71 : vector<1x100096xf32>
    %swap3A = arith.constant 0 : index
    %swap3A_73 = arith.constant 0 : index
    %swap3A_74 = vector.load %arg7[%swap3A, %swap3A_73] : memref<1x100096xf32, #tpu.memory_space<vmem>>, vector<1x100096xf32>
    tpu.vector_store %arg7[%swap3A, %swap3A_73], %add3A_72 {strides = array<i32>} : memref<1x100096xf32, #tpu.memory_space<vmem>>, vector<1x100096xf32>,
    return
  }
  func.func @transform_0(%arg0: i32) -> (i32, i32, i32) {
    %c0_i32 = arith.constant 0 : i32
    %c0_i32_0 = arith.constant 0 : i32
    %c0_i32_1 = arith.constant 0 : i32
    return %c0_i32, %c0_i32_0, %arg0 : i32, i32, i32
  }
  func.func @transform_1(%arg0: i32) -> (i32, i32) {
    %c0_i32 = arith.constant 0 : i32
    %c0_i32_0 = arith.constant 0 : i32
    return %c0_i32, %arg0 : i32, i32
  }
  func.func @transform_2(%arg0: i32) -> (i32, i32) {
    %c0_i32 = arith.constant 0 : i32
    %c0_i32_0 = arith.constant 0 : i32
    return %c0_i32, %arg0 : i32, i32
  }
  func.func @transform_3(%arg0: i32) -> (i32, i32) {
    %c0_i32 = arith.constant 0 : i32
    %c0_i32_0 = arith.constant 0 : i32
    %c0_i32_1 = arith.constant 0 : i32
    return %c0_i32, %c0_i32_0 : i32, i32
  }
  func.func @transform_4(%arg0: i32) -> (i32, i32) {
    %c0_i32 = arith.constant 0 : i32
    %c0_i32_0 = arith.constant 0 : i32
    %c0_i32_1 = arith.constant 0 : i32
    return %c0_i32, %c0_i32_0 : i32, i32
  }
  func.func @transform_5(%arg0: i32) -> (i32, i32) {
    %c0_i32 = arith.constant 0 : i32
    %c0_i32_0 = arith.constant 0 : i32
    %c0_i32_1 = arith.constant 0 : i32
    return %c0_i32, %c0_i32_0 : i32, i32
  }
  func.func @transform_6(%arg0: i32) -> (i32, i32) {
    %c0_i32 = arith.constant 0 : i32
    %c0_i32_0 = arith.constant 0 : i32
    return %c0_i32, %arg0 : i32, i32
  }
}

</mosaic_0001>

<sc_bundles>
// kernel: kernel.11.cloned.1.call-start
scs
__scs_entry_jumppad:
0x0: {  	(pc) =	sbr.rel $0x88, $3  }
0x1: {  	(tag) =	ssettag $0x0;
	lr =	simm.s32 $0x1  }
0x2: {  	[smem:$0x3F99] =	sst lr;
	_ =	strace $0xD0000000  }
0x3: {  	_ = 	snop  }
0x4: {  	_ = 	snop  }
0x5: {  	_ = 	snop  }
0x6: {  	_ = 	snop  }
0x7: {  	_ = 	snop  }
__scs_overlays_trampoline_lowered:
0x8: {  	[smem:$0x3FA8] =	sst s0  }
0x9: {  	[smem:$0x3FA9] =	sst s1  }
0xa: {  	[smem:$0x3FAA] =	sst s2  }
0xb: {  	[smem:$0x3FAB] =	sst s3  }
0xc: {  	[smem:$0x3FAC] =	sst s4  }
0xd: {  	[smem:$0x3FAD] =	sst s5  }
0xe: {  	[smem:$0x3FAE] =	sst s6  }
0xf: {  	[smem:$0x3FAF] =	sst s7  }
0x10: {  	[smem:$0x3FB0] =	sst s8  }
0x11: {  	[smem:$0x3FB1] =	sst s9;
	s0 =	simm.s32 @!p0 $0x0  }
0x12: {  	s1 =	sld [smem:$0x3F97];
	s0 =	simm.s32 @p0 $0x1  }
0x13: {  	[smem:$0x3FB2] =	sst s0;
	s0 =	simm.s32 @!p1 $0x0  }
0x14: {  	s2 =	sld [smem:$0x3F96];
	s0 =	simm.s32 @p1 $0x1  }
0x15: {  	[smem:$0x3FB3] =	sst s0;
	s0 =	simm.s32 @!p2 $0x0  }
0x16: {  	s3 =	sld [smem:$0x3FDB];
	s0 =	simm.s32 @p2 $0x1  }
0x17: {  	s4 =	simm.s32 $0x1BF5;
	[smem:$0x3FB5] =	sst s0  }
0x18: {  	s0 =	sld [smem:$0x3F98];
	_ =	swait.ge [sflag:s4], $0x0  }
0x19: {  	s7 =	sld [smem:$0x3F99]  }
0x1a: {  	s8 =	sadd.s32 $0xFFFFE003, lr  }
0x1b: {  	s9 =	sadd.s32 $0xFFFFFEF7, lr;
	s5 =	simm.s32 $0xFFFFFFFF;
	p2 =	slt.u32 s8, $0xFFFFF086  }
0x1c: {  	p1 =	slt.u32 s9, $0xF7A;
	s5 =	simm.s32 @!p2 $0x0  }
0x1d: {  	s5 =	simm.s32 @p1 $0x1;
	p0 =	seq.s32 s7, s2  }
0x1e: {  	s7 =	smul.u32 @!p0 $0xF7A, s2;
	p2 =	seq.s32 @!p0 s5, $0x0  }
0x1f: {  	s9 =	smul.u32 $0xF7A, s1;
	s8 =	simm.s32 @!p0 $0x1BF5;
	p2 =	por !p2, p0  }
0x20: {  	[sflag:s8] =	ssyncset.s32 @!p0 $0xFFFFF086;
	s6 =	sadd.s32 @!p0 s3, s7;
	s7 =	simm.s32 @!p0 $0x108  }
0x21: {  	s3 =	sadd.s32 s3, s9;
	s6 =	sadd.s32 @!p0 $0x88, s6;
	s7 =	simm.s32 @p2 $0x1082  }
0x22: {  	[simem:s7], [sflag:s8] =	dma.local @!p0 [hbm:s6], $0xF7A  }
0x23: {  	s9 =	sor.u32 $0xD0000000, s2;
	s6 =	simm.s32 $0x108;
	_ =	swait.ge @!p0 [sflag:s8], $0x0  }
0x24: {  	s3 =	sadd.s32 $0x88, s3;
	s6 =	simm.s32 @!p1 $0x1082;
	[sflag:s4] =	ssyncset.s32 $0xFFFFF086  }
0x25: {  	[simem:s6], [sflag:s4] =	dma.local [hbm:s3], $0xF7A  }
0x26: {  	[smem:$0x3F99] =	sst s1;
	(tag) =	ssettag s2;
	_ =	strace s9  }
0x27: {  	s1 =	sld [smem:$0x3FA9]  }
0x28: {  	s2 =	sld [smem:$0x3FAA]  }
0x29: {  	s4 =	sld [smem:$0x3FAC]  }
0x2a: {  	p0 =	seq.s32 s5, $0x0;
	s5 =	sld [smem:$0x3FAD]  }
0x2b: {  	s6 =	sld [smem:$0x3FAE]  }
0x2c: {  	s7 =	sld [smem:$0x3FAF]  }
0x2d: {  	s3 =	simm.s32 $0x108;
	s8 =	sld [smem:$0x3FB0]  }
0x2e: {  	s3 =	simm.s32 @!p0 $0x1082;
	s9 =	sld [smem:$0x3FB1]  }
0x2f: {  	lr =	sadd.s32 s0, s3;
	s0 =	sld [smem:$0x3FA8]  }
0x30: {  	s3 =	sld [smem:$0x3FAB]  }
0x31: {  	[smem:$0x3FB4] =	sst s10  }
0x32: {  	s10 =	sld [smem:$0x3FB2];
	_ =	sdelay $0x3  }
0x33: {  	p0 =	seq.s32 s10, $0x1;
	s10 =	sld [smem:$0x3FB4];
	_ =	sdelay $0x3  }
0x34: {  	[smem:$0x3FB4] =	sst s10  }
0x35: {  	s10 =	sld [smem:$0x3FB3];
	_ =	sdelay $0x3  }
0x36: {  	p1 =	seq.s32 s10, $0x1;
	s10 =	sld [smem:$0x3FB4];
	_ =	sdelay $0x3  }
0x37: {  	[smem:$0x3FB4] =	sst s10  }
0x38: {  	s10 =	sld [smem:$0x3FB5]  }
0x39: {  	_ = 	snop;
	(pc) =	sbr.ind lr, $3  }
0x3a: {  	_ = 	snop  }
0x3b: {  	_ = 	snop  }
0x3c: {  	p2 =	seq.s32 s10, $0x1;
	s10 =	sld [smem:$0x3FB4]  }
0x3d: {  	_ =	shalt  }
0x3e: {  	_ =	shalt  }
0x3f: {  	_ =	shalt  }
0x40: {  	_ =	shalt  }
0x41: {  	_ =	shalt  }
0x42: {  	_ =	shalt  }
0x43: {  	_ =	shalt  }
0x44: {  	_ =	shalt  }
0x45: {  	_ =	shalt  }
0x46: {  	_ =	shalt  }
0x47: {  	_ =	shalt  }
0x48: {  	_ =	shalt  }
0x49: {  	_ =	shalt  }
0x4a: {  	_ =	shalt  }
0x4b: {  	_ =	shalt  }
0x4c: {  	_ =	shalt  }
0x4d: {  	_ =	shalt  }
0x4e: {  	_ =	shalt  }
0x4f: {  	_ =	shalt  }
0x50: {  	_ =	shalt  }
0x51: {  	_ =	shalt  }
0x52: {  	_ =	shalt  }
0x53: {  	_ =	shalt  }
0x54: {  	_ =	shalt  }
0x55: {  	_ =	shalt  }
0x56: {  	_ =	shalt  }
0x57: {  	_ =	shalt  }
0x58: {  	_ =	shalt  }
0x59: {  	_ =	shalt  }
0x5a: {  	_ =	shalt  }
0x5b: {  	_ =	shalt  }
0x5c: {  	_ =	shalt  }
0x5d: {  	_ =	shalt  }
0x5e: {  	_ =	shalt  }
0x5f: {  	_ =	shalt  }
0x60: {  	_ =	shalt  }
0x61: {  	_ =	shalt  }
0x62: {  	_ =	shalt  }
0x63: {  	_ =	shalt  }
0x64: {  	_ =	shalt  }
0x65: {  	_ =	shalt  }
0x66: {  	_ =	shalt  }
0x67: {  	_ =	shalt  }
0x68: {  	_ =	shalt  }
0x69: {  	_ =	shalt  }
0x6a: {  	_ =	shalt  }
0x6b: {  	_ =	shalt  }
0x6c: {  	_ =	shalt  }
0x6d: {  	_ =	shalt  }
0x6e: {  	_ =	shalt  }
0x6f: {  	_ =	shalt  }
0x70: {  	_ =	shalt  }
0x71: {  	_ =	shalt  }
0x72: {  	_ =	shalt  }
0x73: {  	_ =	shalt  }
0x74: {  	_ =	shalt  }
0x75: {  	_ =	shalt  }
0x76: {  	_ =	shalt  }
0x77: {  	_ =	shalt  }
0x78: {  	_ =	shalt  }
0x79: {  	_ =	shalt  }
0x7a: {  	_ =	shalt  }
0x7b: {  	_ =	shalt  }
0x7c: {  	_ =	shalt  }
0x7d: {  	_ =	shalt  }
0x7e: {  	_ =	shalt  }
0x7f: {  	_ =	shalt  }
0x80: {  	_ =	shalt  }
0x81: {  	_ =	shalt  }
0x82: {  	_ =	shalt  }
0x83: {  	_ =	shalt  }
0x84: {  	_ =	shalt  }
0x85: {  	_ =	shalt  }
0x86: {  	_ =	shalt  }
0x87: {  	_ =	shalt  }
.Lfunc_end0:
.L_simem_size_0:
called_computation.1_lowered:
.L_overlay_start_0:
0x88: {  	s2 =	sld [smem:$0x3FD9]  }
0x89: {  	s3 =	sld [smem:$0x3FFE];
	_ =	sdelay $0x1  }
0x8a: {  	s1 =	srdreg.scid  }
0x8b: {  	s0 =	sand.u32 $0x1, s1  }
0x8c: {  	s16 =	sshll.u32 s0, $0xA;
	s2 =	sadd.s32 s3, s2  }
0x8d: {  	s2 =	sadd.s32 s2, s16  }
0x8e: {  	[smem:$0x3FC0] =	sst s2  }
0x8f: {  	_ = 	snop  }
0x90: {  	(tm) =	ssettm $0x1  }
0x91: {  	s17 =	sld [smem:$0x3FFB];
	_ =	sdelay $0x3  }
0x92: {  	_ =	strace s17  }
0x93: {  	s2 =	sld [smem:$0x3FFC];
	_ =	sdelay $0x3  }
0x94: {  	_ =	strace s2  }
0x95: {  	s2 =	sld [smem:$0x3FFD];
	_ =	sdelay $0x3  }
0x96: {  	_ =	strace s2  }
0x97: {  	_ =	strace $0x8FFFFFFF  }
0x98: {  	s18 =	sld [smem:$0x3FDB];
	_ =	sdelay $0x1  }
0x99: {  	s19 =	simm.s32 $_scs_section_size  }
0x9a: {  	s4 =	simm.s32 $_size__tile_overlayer_lowered;
	s5 =	simm.s32 $_tile_overlayer_lowered  }
0x9b: {  	s22 =	simm.s32 $0x1BFF;
	s21 =	sshll.u32 s5, $0x1;
	s2 =	sadd.s32 s19, s18  }
0x9c: {  	s6 =	simm.s32 $0x0;
	s20 =	sshll.u32 s4, $0x1;
	s4 =	sadd.s32 s21, s2  }
0x9d: {  	[timem:s6], [sflag:s22] =	dma.local [hbm:s4], s20  }
0x9e: {  	_ =	swait.ge [sflag:s22], s20  }
0x9f: {  	s3 =	ssub.s32 $0x0, s20;
	[sflag:s22] =	ssyncset.done $0x0  }
0xa0: {  	[sflag:s22] =	ssyncadd.s32 s3;
	_ =	sdelay $0x1  }
0xa1: {  	s23 =	simm.s32 $0x1B8B  }
0xa2: {  	_ =	swait.ge [sflag:s23], $0x1  }
0xa3: {  	[sflag:s23] =	ssyncset.done $0x0  }
0xa4: {  	s25 =	simm.s32 $0x1B8E;
	s24 =	sld [smem:$0x3FFE];
	[sflag:s23] =	ssyncadd.s32 $0xFFFFFFFF  }
0xa5: {  	s26 =	simm.s32 $execute0_lowered;
	[smem:$0x3FD2] =	sst s25  }
0xa6: {  	s4 =	sshll.u32 s26, $0x1;
	_ =	strace $0x80000049;
	[dreg:$0x1] =	wrdreg $0xFFFFFFFF  }
0xa7: {  	s28 =	simm.s32 $_size_execute0_lowered;
	s2 =	sadd.s32 s2, s4;
	[dreg:$0x0] =	wrdreg $0x0  }
0xa8: {  	s4 =	sshll.u32 s28, $0x1;
	[dreg:$0x2] =	wrdreg s2  }
0xa9: {  	[dreg:$0x3] =	wrdreg s4  }
0xaa: {  	[dreg:$0x4] =	wrdreg $0xC0  }
0xab: {  	_ =	task [dreg:s6], $0x5FFFF  }
0xac: {  	[dreg:$0x1] =	wrdreg $0xFFFFFFFF  }
0xad: {  	[dreg:$0x0] =	wrdreg $0x60  }
0xae: {  	[dreg:$0x2] =	wrdreg s24  }
0xaf: {  	[dreg:$0x3] =	wrdreg $0x4E200  }
0xb0: {  	[dreg:$0x4] =	wrdreg $0x111A00  }
0xb1: {  	[dreg:$0x5] =	wrdreg $0x9  }
0xb2: {  	_ =	task.clear_ibuf [dreg:s6], $0x6FFFF;
	_ =	strace $0x90000049  }
0xb3: {  	s29 =	simm.s32 $0x9;
	_ =	strace $0x8000004B  }
0xb4: {  	_ =	swait.ge [sflag:s29], $0x1  }
0xb5: {  	[sflag:s29] =	ssyncadd.s32 $0xFFFFFFFF  }
0xb6: {  	_ =	strace $0x9000004B  }
0xb7: {  	_ =	sfence  }
0xb8: {  	s30 =	sld [smem:$0x0];
	_ =	sdelay $0x2  }
0xb9: {  	s31 =	sshll.u32 s1, $0xD;
	s1 =	sshrl.u32 s1, $0x2  }
0xba: {  	s3 =	sand.u32 $0x4000, s31;
	s1 =	sadd.s32 s1, s30  }
0xbb: {  	s0 =	sor.u32 s3, s0;
	s1 =	sshll.u32 s1, $0x11  }
0xbc: {  	s0 =	sor.u32 s1, s0  }
0xbd: {  	s0 =	sadd.s32 $0x8F2B, s0  }
0xbe: {  	[sflag:s0] =	ssyncadd.remote.s32 $0x1  }
0xbf: {  	_ =	sfence.sel $0xFFFF  }
0xc0: {  	[dreg:$0x0] =	wrdreg $0xFFFFFFFF;
	(pc) =	sbr.abs _section_cstart, $3  }
0xc1: {  	[dreg:$0x1] =	wrdreg $0xFFFFFFFF  }
0xc2: {  	_ =	task.clear_ibuf [dreg:s6], $0x2FFFF;
	_ =	strace $0x9FFFFFFF  }
0xc3: {  	(tm) =	ssettm $0x7FFFFFFF  }
tec
execute0_lowered:
.L_overlay_start_1:
0x0: {  	(tag) =	ssettag $0x1  }
0x1: {  	s0 =	rddreg [dreg:$0x0]  }
0x2: {  	s2 =	rddreg [dreg:$0x1]  }
0x3: {  	s3 =	rddreg [dreg:$0x2];
	s4 =	simm.s32 $0x0  }
0x4: {  	s12 =	stileid.u32;
	s1 =	srdreg.scid;
	s28 =	simm.s32 $0x7D0  }
0x5: {  	s29 =	simm.s32 $0x2710;
	s30 =	simm.s32 $0x2AF8;
	s31 =	simm.s32 $0x3  }
0x6: {  	[smem:$0x7FF] =	sst s4;
	s5 =	smul.u32 $0xC380, s12;
	s1 =	sand.u32 $0x1, s1  }
0x7: {  	s7 =	sadd.s32 $0xC5200, s0;
	s8 =	sadd.s32 $0x1C00, s0;
	s10 =	sshll.u32 s12, $0x1  }
0x8: {  	s14 =	sshll.u32 s12, $0x6;
	s21 =	smul.u32 $0x61A80, s12;
	_ =	strace $0x8000004A  }
0x9: {  	s6 =	smul.u32 $0xC3800, s1;
	s11 =	ssub.s32 $0x2, s1;
	s10 =	sor.u32 s1, s10  }
0xa: {  	s1 =	smul.u32 $0x30D40, s1;
	s9 =	sshrl.u32 s5, $0x3;
	s13 =	sshrl.u32 s11, $0x1  }
0xb: {  	s10 =	smul.u32 $0x30D40, s10;
	s23 =	sadd.s32 s5, s2;
	s9 =	sadd.s32 s9, s0  }
0xc: {  	s6 =	sadd.s32 s5, s6;
	s11 =	ssub.s32 s11, s13;
	s5 =	sadd.s32 s5, s3  }
0xd: {  	s1 =	sadd.s32 s1, s21;
	s23 =	sshrl.u32 s23, $0x3;
	s6 =	sshrl.u32 s6, $0x3  }
0xe: {  	s13 =	sadd.s32 $0x30F800, s9;
	[dreg:$0x5] =	wrdreg s5;
	s15 =	sadd.s32 $0x188800, s9  }
0xf: {  	s18 =	sadd.s32 $0x3E8, s10;
	s19 =	smax.u32 s11, $0x1;
	s25 =	sadd.s32 $0x30958, s10  }
0x10: {  	s5 =	sadd.s32 $0xFA0, s1;
	s1 =	sadd.s32 $0xBB8, s1;
	[dreg:$0x4] =	wrdreg s13  }
0x11: {  	s9 =	simm.s32 $0x0;
	s0 =	sadd.s32 s6, s0;
	[dreg:$0x6] =	wrdreg s15  }
0x12: {  	s6 =	sor.u32 $0x1C07, s14;
	s14 =	sshrl.u32 s10, $0x3;
	[dreg:$0xa] =	wrdreg s19  }
0x13: {  	s20 =	sshrl.u32 s18, $0x3;
	s26 =	sshrl.u32 s5, $0x3;
	s1 =	sshrl.u32 s1, $0x3  }
0x14: {  	s5 =	simm.s32 $0x5;
	s16 =	sadd.s32 s7, s14;
	s17 =	sadd.s32 s8, s14  }
0x15: {  	s0 =	sadd.s32 $0x1A1000, s0;
	s22 =	sadd.s32 s7, s20;
	[dreg:$0x7] =	wrdreg s16  }
0x16: {  	s24 =	sadd.s32 $0xFA, s14;
	s14 =	sadd.s32 s8, s20;
	[dreg:$0x8] =	wrdreg s17  }
0x17: {  	s19 =	sadd.s32 s26, s8;
	s20 =	sadd.s32 s26, s7;
	[dreg:$0x9] =	wrdreg s0  }
0x18: {  	s21 =	sadd.s32 s1, s8;
	s26 =	simm.s32 $0x1;
	[dreg:$0xb] =	wrdreg s22  }
0x19: {  	s15 =	sadd.s32 s7, s24;
	s16 =	sadd.s32 s8, s24;
	s0 =	sshrl.u32 s25, $0x3  }
0x1a: {  	s22 =	sadd.s32 s1, s7;
	s24 =	simm.s32 $0x7;
	s25 =	simm.s32 $0x3E8  }
0x1b: {  	s1 =	simm.s32 $0x2EE0;
	s17 =	sadd.s32 s7, s0;
	s18 =	sadd.s32 s8, s0  }
0x1c: {  	s0 =	simm.s32 $0x2;
	s7 =	simm.s32 $0x4;
	s8 =	simm.s32 $0x6  }
.LBB2_1:
0x1d: {  	s10 =	rddreg [dreg:$0x4]  }
0x1e: {  	[spmem:s23], [sflag:s6] =	dma.local [hbm:s10], $0x1870  }
0x1f: {  	_ =	swait.ge [sflag:s24], $0x1870  }
0x20: {  	[sflag:s24] =	ssyncset.done $0x0;
	s12 =	rddreg [dreg:$0x5]  }
0x21: {  	s11 =	rddreg [dreg:$0x6];
	[sflag:s24] =	ssyncadd.s32 $0xFFFFE790;
	s10 =	sshrl.u32 s12, $0x3  }
0x22: {  	[spmem:s10], [sflag:s6] =	dma.local [hbm:s11], $0x1870  }
0x23: {  	_ =	swait.ge [sflag:s24], $0x1870  }
0x24: {  	[sflag:s24] =	ssyncset.done $0x0  }
0x25: {  	[sflag:s24] =	ssyncadd.s32 $0xFFFFE790  }
0x26: {  	[bflag:$0x0] =	sbarrier.arrive $0xFFFF  }
0x27: {  	s13 =	rddreg [dreg:$0x7]  }
0x28: {  	[tilespmem:s4], [sflag:$0x1] =	stream.linear.gather [hbm4b:s13+s4], $0x3E8, $0x38;
	[tilespmem:$0x1D520] =	vst v63  }
0x29: {  	s12 =	rddreg [dreg:$0x8]  }
0x2a: {  	[tilespmem:s25], [sflag:$0x1] =	stream.linear.gather [hbm4b:s12+s4], $0x3E8, $0x38;
	[tilespmem:$0x1D520] =	vst v63  }
0x2b: {  	_ =	swait.ge [sflag:s26], $0x3E8  }
0x2c: {  	[sflag:s26] =	ssyncset.done $0x0  }
0x2d: {  	[sflag:s26] =	ssyncadd.s32 $0xFFFFFC18  }
0x2e: {  	_ =	swait.ge [sflag:s26], $0x3E8  }
0x2f: {  	[sflag:s26] =	ssyncset.done $0x0  }
0x30: {  	[sflag:s26] =	ssyncadd.s32 $0xFFFFFC18  }
0x31: {  	[tilespmem:s28], [sflag:$0x3] =	stream.indirect.gather [spmem:s2], $0x8, s4, s25, $0xb8;
	[tilespmem:$0x1D520] =	vst v63  }
0x32: {  	s13 =	rddreg [dreg:$0xb]  }
0x33: {  	[tilespmem:s29], [sflag:$0x2] =	stream.linear.gather [hbm4b:s13+s4], $0x3E8, $0x38;
	[tilespmem:$0x1D520] =	vst v63  }
0x34: {  	_ = 	snop  }
0x35: {  	[tilespmem:s30], [sflag:$0x2] =	stream.linear.gather [hbm4b:s14+s4], $0x3E8, $0x38;
	[tilespmem:$0x1D520] =	vst v63  }
0x36: {  	_ =	swait.ge [sflag:s31], $0x1F40  }
0x37: {  	[sflag:s31] =	ssyncset.done $0x0  }
0x38: {  	[sflag:s31] =	ssyncadd.s32 $0xFFFFE0C0  }
0x39: {  	[spmem:s3] =	stream.indirect.scatter.add.f32 [tilespmem:s28], [sflag:$0x5], $0x8, s25, s25, $0xb8;
	[tilespmem:$0x1D520] =	vst v63  }
0x3a: {  	_ =	swait.ge [sflag:s0], $0x3E8  }
0x3b: {  	[sflag:s0] =	ssyncset.done $0x0  }
0x3c: {  	[sflag:s0] =	ssyncadd.s32 $0xFFFFFC18  }
0x3d: {  	_ =	swait.ge [sflag:s0], $0x3E8  }
0x3e: {  	[sflag:s0] =	ssyncset.done $0x0  }
0x3f: {  	[sflag:s0] =	ssyncadd.s32 $0xFFFFFC18  }
0x40: {  	[tilespmem:s1], [sflag:$0x4] =	stream.indirect.gather [spmem:s2], $0x8, s29, s25, $0xb8;
	[tilespmem:$0x1D520] =	vst v63  }
0x41: {  	_ =	swait.ge [sflag:s5], $0x1F40  }
0x42: {  	[sflag:s5] =	ssyncset.done $0x0  }
0x43: {  	[sflag:s5] =	ssyncadd.s32 $0xFFFFE0C0  }
0x44: {  	[tilespmem:s4], [sflag:$0x1] =	stream.linear.gather [hbm4b:s15+s4], $0x3E8, $0x38;
	[tilespmem:$0x1D520] =	vst v63  }
0x45: {  	_ = 	snop  }
0x46: {  	[tilespmem:s25], [sflag:$0x1] =	stream.linear.gather [hbm4b:s16+s4], $0x3E8, $0x38;
	[tilespmem:$0x1D520] =	vst v63  }
0x47: {  	_ =	swait.ge [sflag:s7], $0x1F40  }
0x48: {  	[sflag:s7] =	ssyncset.done $0x0  }
0x49: {  	[sflag:s7] =	ssyncadd.s32 $0xFFFFE0C0  }
0x4a: {  	[spmem:s3] =	stream.indirect.scatter.add.f32 [tilespmem:s1], [sflag:$0x6], $0x8, s30, s25, $0xb8;
	[tilespmem:$0x1D520] =	vst v63  }
0x4b: {  	_ =	swait.ge [sflag:s26], $0x3E8  }
0x4c: {  	[sflag:s26] =	ssyncset.done $0x0  }
0x4d: {  	[sflag:s26] =	ssyncadd.s32 $0xFFFFFC18  }
0x4e: {  	_ =	swait.ge [sflag:s26], $0x3E8  }
0x4f: {  	[sflag:s26] =	ssyncset.done $0x0  }
0x50: {  	[sflag:s26] =	ssyncadd.s32 $0xFFFFFC18  }
0x51: {  	[tilespmem:s28], [sflag:$0x3] =	stream.indirect.gather [spmem:s2], $0x8, s4, s25, $0xb8;
	[tilespmem:$0x1D520] =	vst v63  }
0x52: {  	_ =	swait.ge [sflag:s8], $0x1F40  }
0x53: {  	[sflag:s8] =	ssyncset.done $0x0  }
0x54: {  	s12 =	sadd.s32 $0x0, s22;
	[sflag:s8] =	ssyncadd.s32 $0xFFFFE0C0  }
0x55: {  	[tilespmem:s29], [sflag:$0x2] =	stream.linear.gather [hbm4b:s12+s4], $0x3E8, $0x38;
	[tilespmem:$0x1D520] =	vst v63  }
0x56: {  	s13 =	sadd.s32 $0x0, s21  }
0x57: {  	[tilespmem:s30], [sflag:$0x2] =	stream.linear.gather [hbm4b:s13+s4], $0x3E8, $0x38;
	[tilespmem:$0x1D520] =	vst v63  }
0x58: {  	_ =	swait.ge [sflag:s31], $0x1F40  }
0x59: {  	[sflag:s31] =	ssyncset.done $0x0  }
0x5a: {  	[sflag:s31] =	ssyncadd.s32 $0xFFFFE0C0  }
0x5b: {  	[spmem:s3] =	stream.indirect.scatter.add.f32 [tilespmem:s28], [sflag:$0x5], $0x8, s25, s25, $0xb8;
	[tilespmem:$0x1D520] =	vst v63  }
0x5c: {  	_ =	swait.ge [sflag:s0], $0x3E8  }
0x5d: {  	[sflag:s0] =	ssyncset.done $0x0  }
0x5e: {  	[sflag:s0] =	ssyncadd.s32 $0xFFFFFC18  }
0x5f: {  	_ =	swait.ge [sflag:s0], $0x3E8  }
0x60: {  	[sflag:s0] =	ssyncset.done $0x0  }
0x61: {  	[sflag:s0] =	ssyncadd.s32 $0xFFFFFC18  }
0x62: {  	[tilespmem:s1], [sflag:$0x4] =	stream.indirect.gather [spmem:s2], $0x8, s29, s25, $0xb8;
	[tilespmem:$0x1D520] =	vst v63  }
0x63: {  	_ =	swait.ge [sflag:s5], $0x1F40  }
0x64: {  	[sflag:s5] =	ssyncset.done $0x0  }
0x65: {  	s12 =	sadd.s32 $0x0, s20;
	[sflag:s5] =	ssyncadd.s32 $0xFFFFE0C0  }
0x66: {  	[tilespmem:s4], [sflag:$0x1] =	stream.linear.gather [hbm4b:s12+s4], $0x3E8, $0x38;
	[tilespmem:$0x1D520] =	vst v63  }
0x67: {  	s13 =	sadd.s32 $0x0, s19  }
0x68: {  	[tilespmem:s25], [sflag:$0x1] =	stream.linear.gather [hbm4b:s13+s4], $0x3E8, $0x38;
	[tilespmem:$0x1D520] =	vst v63  }
0x69: {  	_ =	swait.ge [sflag:s7], $0x1F40  }
0x6a: {  	[sflag:s7] =	ssyncset.done $0x0  }
0x6b: {  	s11 =	simm.s32 $0xFA;
	[sflag:s7] =	ssyncadd.s32 $0xFFFFE0C0  }
.LBB2_2:
0x6c: {  	[spmem:s3] =	stream.indirect.scatter.add.f32 [tilespmem:s1], [sflag:$0x6], $0x8, s30, s25, $0xb8;
	[tilespmem:$0x1D520] =	vst v63  }
0x6d: {  	s12 =	smov.u32 s11  }
0x6e: {  	p0 =	sne.s32 s11, $0x5EBA;
	s11 =	sadd.s32 $0xFA, s11;
	_ =	swait.ge [sflag:s26], $0x3E8  }
0x6f: {  	[sflag:s26] =	ssyncset.done $0x0  }
0x70: {  	[sflag:s26] =	ssyncadd.s32 $0xFFFFFC18  }
0x71: {  	_ =	swait.ge [sflag:s26], $0x3E8  }
0x72: {  	[sflag:s26] =	ssyncset.done $0x0  }
0x73: {  	[sflag:s26] =	ssyncadd.s32 $0xFFFFFC18  }
0x74: {  	[tilespmem:s28], [sflag:$0x3] =	stream.indirect.gather [spmem:s2], $0x8, s4, s25, $0xb8;
	[tilespmem:$0x1D520] =	vst v63  }
0x75: {  	_ =	swait.ge [sflag:s8], $0x1F40  }
0x76: {  	[sflag:s8] =	ssyncset.done $0x0  }
0x77: {  	s13 =	sadd.s32 s12, s22;
	[sflag:s8] =	ssyncadd.s32 $0xFFFFE0C0  }
0x78: {  	[tilespmem:s29], [sflag:$0x2] =	stream.linear.gather [hbm4b:s13+s4], $0x3E8, $0x38;
	[tilespmem:$0x1D520] =	vst v63  }
0x79: {  	s13 =	sadd.s32 s12, s21  }
0x7a: {  	[tilespmem:s30], [sflag:$0x2] =	stream.linear.gather [hbm4b:s13+s4], $0x3E8, $0x38;
	[tilespmem:$0x1D520] =	vst v63  }
0x7b: {  	_ =	swait.ge [sflag:s31], $0x1F40  }
0x7c: {  	[sflag:s31] =	ssyncset.done $0x0  }
0x7d: {  	[sflag:s31] =	ssyncadd.s32 $0xFFFFE0C0  }
0x7e: {  	[spmem:s3] =	stream.indirect.scatter.add.f32 [tilespmem:s28], [sflag:$0x5], $0x8, s25, s25, $0xb8;
	[tilespmem:$0x1D520] =	vst v63  }
0x7f: {  	_ =	swait.ge [sflag:s0], $0x3E8  }
0x80: {  	[sflag:s0] =	ssyncset.done $0x0  }
0x81: {  	[sflag:s0] =	ssyncadd.s32 $0xFFFFFC18  }
0x82: {  	_ =	swait.ge [sflag:s0], $0x3E8  }
0x83: {  	[sflag:s0] =	ssyncset.done $0x0  }
0x84: {  	[sflag:s0] =	ssyncadd.s32 $0xFFFFFC18  }
0x85: {  	[tilespmem:s1], [sflag:$0x4] =	stream.indirect.gather [spmem:s2], $0x8, s29, s25, $0xb8;
	[tilespmem:$0x1D520] =	vst v63  }
0x86: {  	_ =	swait.ge [sflag:s5], $0x1F40  }
0x87: {  	[sflag:s5] =	ssyncset.done $0x0  }
0x88: {  	s13 =	sadd.s32 s12, s20;
	[sflag:s5] =	ssyncadd.s32 $0xFFFFE0C0  }
0x89: {  	[tilespmem:s4], [sflag:$0x1] =	stream.linear.gather [hbm4b:s13+s4], $0x3E8, $0x38;
	[tilespmem:$0x1D520] =	vst v63  }
.Ltmp0:
0x8a: {  	s12 =	sadd.s32 s12, s19;
	(pc) =	sbr.rel @p0 .LBB2_2-.Ltmp0, $4  }
0x8b: {  	[tilespmem:s25], [sflag:$0x1] =	stream.linear.gather [hbm4b:s12+s4], $0x3E8, $0x38;
	[tilespmem:$0x1D520] =	vst v63  }
0x8c: {  	_ =	swait.ge [sflag:s7], $0x1F40  }
0x8d: {  	[sflag:s7] =	ssyncset.done $0x0  }
0x8e: {  	[sflag:s7] =	ssyncadd.s32 $0xFFFFE0C0  }
0x8f: {  	[spmem:s3] =	stream.indirect.scatter.add.f32 [tilespmem:s1], [sflag:$0x6], $0x8, s30, s25, $0xb8;
	[tilespmem:$0x1D520] =	vst v63  }
0x90: {  	_ =	swait.ge [sflag:s26], $0x3E8  }
0x91: {  	[sflag:s26] =	ssyncset.done $0x0  }
0x92: {  	[sflag:s26] =	ssyncadd.s32 $0xFFFFFC18  }
0x93: {  	_ =	swait.ge [sflag:s26], $0x3E8  }
0x94: {  	[sflag:s26] =	ssyncset.done $0x0  }
0x95: {  	[sflag:s26] =	ssyncadd.s32 $0xFFFFFC18  }
0x96: {  	[tilespmem:s28], [sflag:$0x3] =	stream.indirect.gather [spmem:s2], $0x8, s4, s25, $0xb8;
	[tilespmem:$0x1D520] =	vst v63  }
0x97: {  	_ =	swait.ge [sflag:s8], $0x1F40  }
0x98: {  	[sflag:s8] =	ssyncset.done $0x0  }
0x99: {  	[sflag:s8] =	ssyncadd.s32 $0xFFFFE0C0  }
0x9a: {  	[tilespmem:s29], [sflag:$0x2] =	stream.linear.gather [hbm4b:s17+s4], $0x3E8, $0x38;
	[tilespmem:$0x1D520] =	vst v63  }
0x9b: {  	_ = 	snop  }
0x9c: {  	[tilespmem:s30], [sflag:$0x2] =	stream.linear.gather [hbm4b:s18+s4], $0x3E8, $0x38;
	[tilespmem:$0x1D520] =	vst v63  }
0x9d: {  	_ =	swait.ge [sflag:s31], $0x1F40  }
0x9e: {  	[sflag:s31] =	ssyncset.done $0x0  }
0x9f: {  	[sflag:s31] =	ssyncadd.s32 $0xFFFFE0C0  }
0xa0: {  	[spmem:s3] =	stream.indirect.scatter.add.f32 [tilespmem:s28], [sflag:$0x5], $0x8, s25, s25, $0xb8;
	[tilespmem:$0x1D520] =	vst v63  }
0xa1: {  	_ =	swait.ge [sflag:s0], $0x3E8  }
0xa2: {  	[sflag:s0] =	ssyncset.done $0x0  }
0xa3: {  	[sflag:s0] =	ssyncadd.s32 $0xFFFFFC18  }
0xa4: {  	_ =	swait.ge [sflag:s0], $0x3E8  }
0xa5: {  	[sflag:s0] =	ssyncset.done $0x0  }
0xa6: {  	[sflag:s0] =	ssyncadd.s32 $0xFFFFFC18  }
0xa7: {  	[tilespmem:s1], [sflag:$0x4] =	stream.indirect.gather [spmem:s2], $0x8, s29, s25, $0xb8;
	[tilespmem:$0x1D520] =	vst v63  }
0xa8: {  	_ =	swait.ge [sflag:s7], $0x1F40  }
0xa9: {  	[sflag:s7] =	ssyncset.done $0x0  }
0xaa: {  	[sflag:s7] =	ssyncadd.s32 $0xFFFFE0C0  }
0xab: {  	[spmem:s3] =	stream.indirect.scatter.add.f32 [tilespmem:s1], [sflag:$0x6], $0x8, s30, s25, $0xb8;
	[tilespmem:$0x1D520] =	vst v63  }
0xac: {  	_ =	swait.ge [sflag:s5], $0x1F40  }
0xad: {  	[sflag:s5] =	ssyncset.done $0x0  }
0xae: {  	[sflag:s5] =	ssyncadd.s32 $0xFFFFE0C0  }
0xaf: {  	_ =	swait.ge [sflag:s8], $0x1F40  }
0xb0: {  	[sflag:s8] =	ssyncset.done $0x0  }
0xb1: {  	[sflag:s8] =	ssyncadd.s32 $0xFFFFE0C0  }
0xb2: {  	[bflag:$0x0] =	sbarrier.arrive $0xFFFF  }
0xb3: {  	s11 =	rddreg [dreg:$0x9]  }
0xb4: {  	[hbm:s11], [sflag:s6] =	dma.local [spmem:s10], $0x1870  }
0xb5: {  	_ =	swait.ge [sflag:s24], $0x1870  }
0xb6: {  	s9 =	sadd.s32 $0x1, s9;
	s13 =	rddreg [dreg:$0xa]  }
0xb7: {  	p0 =	sne.s32 s9, s13  }
.Ltmp1:
0xb8: {  	_ = 	snop;
	(pc) =	sbr.rel @p0 .LBB2_1-.Ltmp1, $3  }
0xb9: {  	_ =	sdelay $0x1  }
0xba: {  	[sflag:s24] =	ssyncset.done $0x0  }
0xbb: {  	[sflag:s24] =	ssyncadd.s32 $0xFFFFE790  }
0xbc: {  	_ =	sfence.sel $0x180000  }
0xbd: {  	[bflag:$0x0] =	sbarrier.arrive $0xFFFF  }
0xbe: {  	_ =	strace $0x9000004A  }
0xbf: {  	s0 =	stileid.u32;
	[bflag:$0x2] =	sbarrier.arrive $0xFFFF  }
0xc0: {  	p0 =	sne.s32 s0, $0x0;
	s0 =	rddreg [dreg:$0x3]  }
0xc1: {  	s0 =	sadd.s32 @!p0 $0x100000, s0  }
0xc2: {  	[sflag:s0] =	ssyncadd.tile.s32 @!p0 $0x1;
	_ =	shalt  }
.Lfunc_end2:
_tile_overlayer_lowered:
.L_overlay_start_2:
0xc3: {  	(tag) =	ssettag $0x2  }
0xc4: {  	s0 =	rddreg [dreg:$0x0];
	s2 =	stileid.u32  }
0xc5: {  	s1 =	rddreg [dreg:$0x1];
	p0 =	sne.s32 s2, $0x0  }
0xc6: {  	s3 =	rddreg [dreg:$0x2];
	[bflag:$0x3] =	sbarrier.arrive $0xFFFF;
	s2 =	simm.s32 @!p0 $0x1C07  }
0xc7: {  	[timem:s3], [sflag:s2] =	dma.local @!p0 [hbm:s0], s1  }
0xc8: {  	s0 =	simm.s32 @!p0 $0x7  }
0xc9: {  	_ =	swait.ge @!p0 [sflag:s0], s1  }
0xca: {  	s1 =	ssub.s32 @!p0 $0x0, s1;
	[sflag:s0] =	ssyncset.done @!p0 $0x0  }
0xcb: {  	[sflag:s0] =	ssyncadd.s32 @!p0 s1  }
0xcc: {  	[bflag:$0x3] =	sbarrier.arrive $0xFFFF  }
0xcd: {  	_ =	shalt  }

// kernel: kernel.14.cloned.1.call-start
scs
__scs_entry_jumppad:
0x0: {  	(pc) =	sbr.rel $0x88, $3  }
0x1: {  	(tag) =	ssettag $0x0;
	lr =	simm.s32 $0x1  }
0x2: {  	[smem:$0x3F99] =	sst lr;
	_ =	strace $0xD0000000  }
0x3: {  	_ = 	snop  }
0x4: {  	_ = 	snop  }
0x5: {  	_ = 	snop  }
0x6: {  	_ = 	snop  }
0x7: {  	_ = 	snop  }
__scs_overlays_trampoline_lowered:
0x8: {  	[smem:$0x3FA8] =	sst s0  }
0x9: {  	[smem:$0x3FA9] =	sst s1  }
0xa: {  	[smem:$0x3FAA] =	sst s2  }
0xb: {  	[smem:$0x3FAB] =	sst s3  }
0xc: {  	[smem:$0x3FAC] =	sst s4  }
0xd: {  	[smem:$0x3FAD] =	sst s5  }
0xe: {  	[smem:$0x3FAE] =	sst s6  }
0xf: {  	[smem:$0x3FAF] =	sst s7  }
0x10: {  	[smem:$0x3FB0] =	sst s8  }
0x11: {  	[smem:$0x3FB1] =	sst s9;
	s0 =	simm.s32 @!p0 $0x0  }
0x12: {  	s1 =	sld [smem:$0x3F97];
	s0 =	simm.s32 @p0 $0x1  }
0x13: {  	[smem:$0x3FB2] =	sst s0;
	s0 =	simm.s32 @!p1 $0x0  }
0x14: {  	s2 =	sld [smem:$0x3F96];
	s0 =	simm.s32 @p1 $0x1  }
0x15: {  	[smem:$0x3FB3] =	sst s0;
	s0 =	simm.s32 @!p2 $0x0  }
0x16: {  	s3 =	sld [smem:$0x3FDB];
	s0 =	simm.s32 @p2 $0x1  }
0x17: {  	s4 =	simm.s32 $0x1BF5;
	[smem:$0x3FB5] =	sst s0  }
0x18: {  	s0 =	sld [smem:$0x3F98];
	_ =	swait.ge [sflag:s4], $0x0  }
0x19: {  	s7 =	sld [smem:$0x3F99]  }
0x1a: {  	s8 =	sadd.s32 $0xFFFFE003, lr  }
0x1b: {  	s9 =	sadd.s32 $0xFFFFFEF7, lr;
	s5 =	simm.s32 $0xFFFFFFFF;
	p2 =	slt.u32 s8, $0xFFFFF086  }
0x1c: {  	p1 =	slt.u32 s9, $0xF7A;
	s5 =	simm.s32 @!p2 $0x0  }
0x1d: {  	s5 =	simm.s32 @p1 $0x1;
	p0 =	seq.s32 s7, s2  }
0x1e: {  	s7 =	smul.u32 @!p0 $0xF7A, s2;
	p2 =	seq.s32 @!p0 s5, $0x0  }
0x1f: {  	s9 =	smul.u32 $0xF7A, s1;
	s8 =	simm.s32 @!p0 $0x1BF5;
	p2 =	por !p2, p0  }
0x20: {  	[sflag:s8] =	ssyncset.s32 @!p0 $0xFFFFF086;
	s6 =	sadd.s32 @!p0 s3, s7;
	s7 =	simm.s32 @!p0 $0x108  }
0x21: {  	s3 =	sadd.s32 s3, s9;
	s6 =	sadd.s32 @!p0 $0x88, s6;
	s7 =	simm.s32 @p2 $0x1082  }
0x22: {  	[simem:s7], [sflag:s8] =	dma.local @!p0 [hbm:s6], $0xF7A  }
0x23: {  	s9 =	sor.u32 $0xD0000000, s2;
	s6 =	simm.s32 $0x108;
	_ =	swait.ge @!p0 [sflag:s8], $0x0  }
0x24: {  	s3 =	sadd.s32 $0x88, s3;
	s6 =	simm.s32 @!p1 $0x1082;
	[sflag:s4] =	ssyncset.s32 $0xFFFFF086  }
0x25: {  	[simem:s6], [sflag:s4] =	dma.local [hbm:s3], $0xF7A  }
0x26: {  	[smem:$0x3F99] =	sst s1;
	(tag) =	ssettag s2;
	_ =	strace s9  }
0x27: {  	s1 =	sld [smem:$0x3FA9]  }
0x28: {  	s2 =	sld [smem:$0x3FAA]  }
0x29: {  	s4 =	sld [smem:$0x3FAC]  }
0x2a: {  	p0 =	seq.s32 s5, $0x0;
	s5 =	sld [smem:$0x3FAD]  }
0x2b: {  	s6 =	sld [smem:$0x3FAE]  }
0x2c: {  	s7 =	sld [smem:$0x3FAF]  }
0x2d: {  	s3 =	simm.s32 $0x108;
	s8 =	sld [smem:$0x3FB0]  }
0x2e: {  	s3 =	simm.s32 @!p0 $0x1082;
	s9 =	sld [smem:$0x3FB1]  }
0x2f: {  	lr =	sadd.s32 s0, s3;
	s0 =	sld [smem:$0x3FA8]  }
0x30: {  	s3 =	sld [smem:$0x3FAB]  }
0x31: {  	[smem:$0x3FB4] =	sst s10  }
0x32: {  	s10 =	sld [smem:$0x3FB2];
	_ =	sdelay $0x3  }
0x33: {  	p0 =	seq.s32 s10, $0x1;
	s10 =	sld [smem:$0x3FB4];
	_ =	sdelay $0x3  }
0x34: {  	[smem:$0x3FB4] =	sst s10  }
0x35: {  	s10 =	sld [smem:$0x3FB3];
	_ =	sdelay $0x3  }
0x36: {  	p1 =	seq.s32 s10, $0x1;
	s10 =	sld [smem:$0x3FB4];
	_ =	sdelay $0x3  }
0x37: {  	[smem:$0x3FB4] =	sst s10  }
0x38: {  	s10 =	sld [smem:$0x3FB5]  }
0x39: {  	_ = 	snop;
	(pc) =	sbr.ind lr, $3  }
0x3a: {  	_ = 	snop  }
0x3b: {  	_ = 	snop  }
0x3c: {  	p2 =	seq.s32 s10, $0x1;
	s10 =	sld [smem:$0x3FB4]  }
0x3d: {  	_ =	shalt  }
0x3e: {  	_ =	shalt  }
0x3f: {  	_ =	shalt  }
0x40: {  	_ =	shalt  }
0x41: {  	_ =	shalt  }
0x42: {  	_ =	shalt  }
0x43: {  	_ =	shalt  }
0x44: {  	_ =	shalt  }
0x45: {  	_ =	shalt  }
0x46: {  	_ =	shalt  }
0x47: {  	_ =	shalt  }
0x48: {  	_ =	shalt  }
0x49: {  	_ =	shalt  }
0x4a: {  	_ =	shalt  }
0x4b: {  	_ =	shalt  }
0x4c: {  	_ =	shalt  }
0x4d: {  	_ =	shalt  }
0x4e: {  	_ =	shalt  }
0x4f: {  	_ =	shalt  }
0x50: {  	_ =	shalt  }
0x51: {  	_ =	shalt  }
0x52: {  	_ =	shalt  }
0x53: {  	_ =	shalt  }
0x54: {  	_ =	shalt  }
0x55: {  	_ =	shalt  }
0x56: {  	_ =	shalt  }
0x57: {  	_ =	shalt  }
0x58: {  	_ =	shalt  }
0x59: {  	_ =	shalt  }
0x5a: {  	_ =	shalt  }
0x5b: {  	_ =	shalt  }
0x5c: {  	_ =	shalt  }
0x5d: {  	_ =	shalt  }
0x5e: {  	_ =	shalt  }
0x5f: {  	_ =	shalt  }
0x60: {  	_ =	shalt  }
0x61: {  	_ =	shalt  }
0x62: {  	_ =	shalt  }
0x63: {  	_ =	shalt  }
0x64: {  	_ =	shalt  }
0x65: {  	_ =	shalt  }
0x66: {  	_ =	shalt  }
0x67: {  	_ =	shalt  }
0x68: {  	_ =	shalt  }
0x69: {  	_ =	shalt  }
0x6a: {  	_ =	shalt  }
0x6b: {  	_ =	shalt  }
0x6c: {  	_ =	shalt  }
0x6d: {  	_ =	shalt  }
0x6e: {  	_ =	shalt  }
0x6f: {  	_ =	shalt  }
0x70: {  	_ =	shalt  }
0x71: {  	_ =	shalt  }
0x72: {  	_ =	shalt  }
0x73: {  	_ =	shalt  }
0x74: {  	_ =	shalt  }
0x75: {  	_ =	shalt  }
0x76: {  	_ =	shalt  }
0x77: {  	_ =	shalt  }
0x78: {  	_ =	shalt  }
0x79: {  	_ =	shalt  }
0x7a: {  	_ =	shalt  }
0x7b: {  	_ =	shalt  }
0x7c: {  	_ =	shalt  }
0x7d: {  	_ =	shalt  }
0x7e: {  	_ =	shalt  }
0x7f: {  	_ =	shalt  }
0x80: {  	_ =	shalt  }
0x81: {  	_ =	shalt  }
0x82: {  	_ =	shalt  }
0x83: {  	_ =	shalt  }
0x84: {  	_ =	shalt  }
0x85: {  	_ =	shalt  }
0x86: {  	_ =	shalt  }
0x87: {  	_ =	shalt  }
.Lfunc_end0:
.L_simem_size_0:
called_computation.2_lowered:
.L_overlay_start_0:
0x88: {  	s2 =	sld [smem:$0x3FD9]  }
0x89: {  	s3 =	sld [smem:$0x3FFE];
	_ =	sdelay $0x1  }
0x8a: {  	s1 =	srdreg.scid  }
0x8b: {  	s0 =	sand.u32 $0x1, s1  }
0x8c: {  	s16 =	sshll.u32 s0, $0xA;
	s2 =	sadd.s32 s3, s2  }
0x8d: {  	s2 =	sadd.s32 s2, s16  }
0x8e: {  	[smem:$0x3FC0] =	sst s2  }
0x8f: {  	_ = 	snop  }
0x90: {  	(tm) =	ssettm $0x1  }
0x91: {  	s17 =	sld [smem:$0x3FFB];
	_ =	sdelay $0x3  }
0x92: {  	_ =	strace s17  }
0x93: {  	s2 =	sld [smem:$0x3FFC];
	_ =	sdelay $0x3  }
0x94: {  	_ =	strace s2  }
0x95: {  	s2 =	sld [smem:$0x3FFD];
	_ =	sdelay $0x3  }
0x96: {  	_ =	strace s2  }
0x97: {  	_ =	strace $0x8FFFFFFF  }
0x98: {  	s18 =	sld [smem:$0x3FDB];
	_ =	sdelay $0x1  }
0x99: {  	s19 =	simm.s32 $_scs_section_size  }
0x9a: {  	s4 =	simm.s32 $_size__tile_overlayer_lowered;
	s5 =	simm.s32 $_tile_overlayer_lowered  }
0x9b: {  	s22 =	simm.s32 $0x1BFF;
	s21 =	sshll.u32 s5, $0x1;
	s2 =	sadd.s32 s19, s18  }
0x9c: {  	s6 =	simm.s32 $0x0;
	s20 =	sshll.u32 s4, $0x1;
	s4 =	sadd.s32 s21, s2  }
0x9d: {  	[timem:s6], [sflag:s22] =	dma.local [hbm:s4], s20  }
0x9e: {  	_ =	swait.ge [sflag:s22], s20  }
0x9f: {  	s3 =	ssub.s32 $0x0, s20;
	[sflag:s22] =	ssyncset.done $0x0  }
0xa0: {  	[sflag:s22] =	ssyncadd.s32 s3;
	_ =	sdelay $0x1  }
0xa1: {  	s23 =	simm.s32 $0x1B8B  }
0xa2: {  	_ =	swait.ge [sflag:s23], $0x1  }
0xa3: {  	[sflag:s23] =	ssyncset.done $0x0  }
0xa4: {  	s25 =	simm.s32 $0x1B8E;
	s24 =	sld [smem:$0x3FFE];
	[sflag:s23] =	ssyncadd.s32 $0xFFFFFFFF  }
0xa5: {  	s26 =	simm.s32 $execute0_lowered;
	[smem:$0x3FD2] =	sst s25  }
0xa6: {  	s4 =	sshll.u32 s26, $0x1;
	_ =	strace $0x8000004C;
	[dreg:$0x1] =	wrdreg $0xFFFFFFFF  }
0xa7: {  	s28 =	simm.s32 $_size_execute0_lowered;
	s2 =	sadd.s32 s2, s4;
	[dreg:$0x0] =	wrdreg $0x0  }
0xa8: {  	s4 =	sshll.u32 s28, $0x1;
	[dreg:$0x2] =	wrdreg s2  }
0xa9: {  	[dreg:$0x3] =	wrdreg s4  }
0xaa: {  	[dreg:$0x4] =	wrdreg $0xC0  }
0xab: {  	_ =	task [dreg:s6], $0x5FFFF  }
0xac: {  	[dreg:$0x1] =	wrdreg $0xFFFFFFFF  }
0xad: {  	[dreg:$0x0] =	wrdreg $0x60  }
0xae: {  	[dreg:$0x2] =	wrdreg s24  }
0xaf: {  	[dreg:$0x3] =	wrdreg $0x4E200  }
0xb0: {  	[dreg:$0x4] =	wrdreg $0x111A00  }
0xb1: {  	[dreg:$0x5] =	wrdreg $0x9  }
0xb2: {  	_ =	task.clear_ibuf [dreg:s6], $0x6FFFF;
	_ =	strace $0x9000004C  }
0xb3: {  	s29 =	simm.s32 $0x9;
	_ =	strace $0x8000004E  }
0xb4: {  	_ =	swait.ge [sflag:s29], $0x1  }
0xb5: {  	[sflag:s29] =	ssyncadd.s32 $0xFFFFFFFF  }
0xb6: {  	_ =	strace $0x9000004E  }
0xb7: {  	_ =	sfence  }
0xb8: {  	s30 =	sld [smem:$0x0];
	_ =	sdelay $0x2  }
0xb9: {  	s31 =	sshll.u32 s1, $0xD;
	s1 =	sshrl.u32 s1, $0x2  }
0xba: {  	s3 =	sand.u32 $0x4000, s31;
	s1 =	sadd.s32 s1, s30  }
0xbb: {  	s0 =	sor.u32 s3, s0;
	s1 =	sshll.u32 s1, $0x11  }
0xbc: {  	s0 =	sor.u32 s1, s0  }
0xbd: {  	s0 =	sadd.s32 $0x8F2B, s0  }
0xbe: {  	[sflag:s0] =	ssyncadd.remote.s32 $0x1  }
0xbf: {  	_ =	sfence.sel $0xFFFF  }
0xc0: {  	[dreg:$0x0] =	wrdreg $0xFFFFFFFF;
	(pc) =	sbr.abs _section_cstart, $3  }
0xc1: {  	[dreg:$0x1] =	wrdreg $0xFFFFFFFF  }
0xc2: {  	_ =	task.clear_ibuf [dreg:s6], $0x2FFFF;
	_ =	strace $0x9FFFFFFF  }
0xc3: {  	(tm) =	ssettm $0x7FFFFFFF  }
tec
execute0_lowered:
.L_overlay_start_1:
0x0: {  	(tag) =	ssettag $0x1  }
0x1: {  	s0 =	rddreg [dreg:$0x0]  }
0x2: {  	s2 =	rddreg [dreg:$0x1]  }
0x3: {  	s3 =	rddreg [dreg:$0x2];
	s4 =	simm.s32 $0x0  }
0x4: {  	s12 =	stileid.u32;
	s1 =	srdreg.scid;
	s28 =	simm.s32 $0x7D0  }
0x5: {  	s29 =	simm.s32 $0x2710;
	s30 =	simm.s32 $0x2AF8;
	s31 =	simm.s32 $0x3  }
0x6: {  	[smem:$0x7FF] =	sst s4;
	s5 =	smul.u32 $0xC380, s12;
	s1 =	sand.u32 $0x1, s1  }
0x7: {  	s7 =	sadd.s32 $0xC5200, s0;
	s8 =	sadd.s32 $0x1C00, s0;
	s10 =	sshll.u32 s12, $0x1  }
0x8: {  	s14 =	sshll.u32 s12, $0x6;
	s21 =	smul.u32 $0x61A80, s12;
	_ =	strace $0x8000004D  }
0x9: {  	s6 =	smul.u32 $0xC3800, s1;
	s11 =	ssub.s32 $0x2, s1;
	s10 =	sor.u32 s1, s10  }
0xa: {  	s1 =	smul.u32 $0x30D40, s1;
	s9 =	sshrl.u32 s5, $0x3;
	s13 =	sshrl.u32 s11, $0x1  }
0xb: {  	s10 =	smul.u32 $0x30D40, s10;
	s23 =	sadd.s32 s5, s2;
	s9 =	sadd.s32 s9, s0  }
0xc: {  	s6 =	sadd.s32 s5, s6;
	s11 =	ssub.s32 s11, s13;
	s5 =	sadd.s32 s5, s3  }
0xd: {  	s1 =	sadd.s32 s1, s21;
	s23 =	sshrl.u32 s23, $0x3;
	s6 =	sshrl.u32 s6, $0x3  }
0xe: {  	s13 =	sadd.s32 $0x328000, s9;
	[dreg:$0x5] =	wrdreg s5;
	s15 =	sadd.s32 $0x188800, s9  }
0xf: {  	s18 =	sadd.s32 $0x3E8, s10;
	s19 =	smax.u32 s11, $0x1;
	s25 =	sadd.s32 $0x30958, s10  }
0x10: {  	s5 =	sadd.s32 $0xFA0, s1;
	s1 =	sadd.s32 $0xBB8, s1;
	[dreg:$0x4] =	wrdreg s13  }
0x11: {  	s9 =	simm.s32 $0x0;
	s0 =	sadd.s32 s6, s0;
	[dreg:$0x6] =	wrdreg s15  }
0x12: {  	s6 =	sor.u32 $0x1C07, s14;
	s14 =	sshrl.u32 s10, $0x3;
	[dreg:$0xa] =	wrdreg s19  }
0x13: {  	s20 =	sshrl.u32 s18, $0x3;
	s26 =	sshrl.u32 s5, $0x3;
	s1 =	sshrl.u32 s1, $0x3  }
0x14: {  	s5 =	simm.s32 $0x5;
	s16 =	sadd.s32 s7, s14;
	s17 =	sadd.s32 s8, s14  }
0x15: {  	s0 =	sadd.s32 $0x1A1000, s0;
	s22 =	sadd.s32 s7, s20;
	[dreg:$0x7] =	wrdreg s16  }
0x16: {  	s24 =	sadd.s32 $0xFA, s14;
	s14 =	sadd.s32 s8, s20;
	[dreg:$0x8] =	wrdreg s17  }
0x17: {  	s19 =	sadd.s32 s26, s8;
	s20 =	sadd.s32 s26, s7;
	[dreg:$0x9] =	wrdreg s0  }
0x18: {  	s21 =	sadd.s32 s1, s8;
	s26 =	simm.s32 $0x1;
	[dreg:$0xb] =	wrdreg s22  }
0x19: {  	s15 =	sadd.s32 s7, s24;
	s16 =	sadd.s32 s8, s24;
	s0 =	sshrl.u32 s25, $0x3  }
0x1a: {  	s22 =	sadd.s32 s1, s7;
	s24 =	simm.s32 $0x7;
	s25 =	simm.s32 $0x3E8  }
0x1b: {  	s1 =	simm.s32 $0x2EE0;
	s17 =	sadd.s32 s7, s0;
	s18 =	sadd.s32 s8, s0  }
0x1c: {  	s0 =	simm.s32 $0x2;
	s7 =	simm.s32 $0x4;
	s8 =	simm.s32 $0x6  }
.LBB2_1:
0x1d: {  	s10 =	rddreg [dreg:$0x4]  }
0x1e: {  	[spmem:s23], [sflag:s6] =	dma.local [hbm:s10], $0x1870  }
0x1f: {  	_ =	swait.ge [sflag:s24], $0x1870  }
0x20: {  	[sflag:s24] =	ssyncset.done $0x0;
	s12 =	rddreg [dreg:$0x5]  }
0x21: {  	s11 =	rddreg [dreg:$0x6];
	[sflag:s24] =	ssyncadd.s32 $0xFFFFE790;
	s10 =	sshrl.u32 s12, $0x3  }
0x22: {  	[spmem:s10], [sflag:s6] =	dma.local [hbm:s11], $0x1870  }
0x23: {  	_ =	swait.ge [sflag:s24], $0x1870  }
0x24: {  	[sflag:s24] =	ssyncset.done $0x0  }
0x25: {  	[sflag:s24] =	ssyncadd.s32 $0xFFFFE790  }
0x26: {  	[bflag:$0x0] =	sbarrier.arrive $0xFFFF  }
0x27: {  	s13 =	rddreg [dreg:$0x7]  }
0x28: {  	[tilespmem:s4], [sflag:$0x1] =	stream.linear.gather [hbm4b:s13+s4], $0x3E8, $0x38;
	[tilespmem:$0x1D520] =	vst v63  }
0x29: {  	s12 =	rddreg [dreg:$0x8]  }
0x2a: {  	[tilespmem:s25], [sflag:$0x1] =	stream.linear.gather [hbm4b:s12+s4], $0x3E8, $0x38;
	[tilespmem:$0x1D520] =	vst v63  }
0x2b: {  	_ =	swait.ge [sflag:s26], $0x3E8  }
0x2c: {  	[sflag:s26] =	ssyncset.done $0x0  }
0x2d: {  	[sflag:s26] =	ssyncadd.s32 $0xFFFFFC18  }
0x2e: {  	_ =	swait.ge [sflag:s26], $0x3E8  }
0x2f: {  	[sflag:s26] =	ssyncset.done $0x0  }
0x30: {  	[sflag:s26] =	ssyncadd.s32 $0xFFFFFC18  }
0x31: {  	[tilespmem:s28], [sflag:$0x3] =	stream.indirect.gather [spmem:s2], $0x8, s4, s25, $0xb8;
	[tilespmem:$0x1D520] =	vst v63  }
0x32: {  	s13 =	rddreg [dreg:$0xb]  }
0x33: {  	[tilespmem:s29], [sflag:$0x2] =	stream.linear.gather [hbm4b:s13+s4], $0x3E8, $0x38;
	[tilespmem:$0x1D520] =	vst v63  }
0x34: {  	_ = 	snop  }
0x35: {  	[tilespmem:s30], [sflag:$0x2] =	stream.linear.gather [hbm4b:s14+s4], $0x3E8, $0x38;
	[tilespmem:$0x1D520] =	vst v63  }
0x36: {  	_ =	swait.ge [sflag:s31], $0x1F40  }
0x37: {  	[sflag:s31] =	ssyncset.done $0x0  }
0x38: {  	[sflag:s31] =	ssyncadd.s32 $0xFFFFE0C0  }
0x39: {  	[spmem:s3] =	stream.indirect.scatter.add.f32 [tilespmem:s28], [sflag:$0x5], $0x8, s25, s25, $0xb8;
	[tilespmem:$0x1D520] =	vst v63  }
0x3a: {  	_ =	swait.ge [sflag:s0], $0x3E8  }
0x3b: {  	[sflag:s0] =	ssyncset.done $0x0  }
0x3c: {  	[sflag:s0] =	ssyncadd.s32 $0xFFFFFC18  }
0x3d: {  	_ =	swait.ge [sflag:s0], $0x3E8  }
0x3e: {  	[sflag:s0] =	ssyncset.done $0x0  }
0x3f: {  	[sflag:s0] =	ssyncadd.s32 $0xFFFFFC18  }
0x40: {  	[tilespmem:s1], [sflag:$0x4] =	stream.indirect.gather [spmem:s2], $0x8, s29, s25, $0xb8;
	[tilespmem:$0x1D520] =	vst v63  }
0x41: {  	_ =	swait.ge [sflag:s5], $0x1F40  }
0x42: {  	[sflag:s5] =	ssyncset.done $0x0  }
0x43: {  	[sflag:s5] =	ssyncadd.s32 $0xFFFFE0C0  }
0x44: {  	[tilespmem:s4], [sflag:$0x1] =	stream.linear.gather [hbm4b:s15+s4], $0x3E8, $0x38;
	[tilespmem:$0x1D520] =	vst v63  }
0x45: {  	_ = 	snop  }
0x46: {  	[tilespmem:s25], [sflag:$0x1] =	stream.linear.gather [hbm4b:s16+s4], $0x3E8, $0x38;
	[tilespmem:$0x1D520] =	vst v63  }
0x47: {  	_ =	swait.ge [sflag:s7], $0x1F40  }
0x48: {  	[sflag:s7] =	ssyncset.done $0x0  }
0x49: {  	[sflag:s7] =	ssyncadd.s32 $0xFFFFE0C0  }
0x4a: {  	[spmem:s3] =	stream.indirect.scatter.add.f32 [tilespmem:s1], [sflag:$0x6], $0x8, s30, s25, $0xb8;
	[tilespmem:$0x1D520] =	vst v63  }
0x4b: {  	_ =	swait.ge [sflag:s26], $0x3E8  }
0x4c: {  	[sflag:s26] =	ssyncset.done $0x0  }
0x4d: {  	[sflag:s26] =	ssyncadd.s32 $0xFFFFFC18  }
0x4e: {  	_ =	swait.ge [sflag:s26], $0x3E8  }
0x4f: {  	[sflag:s26] =	ssyncset.done $0x0  }
0x50: {  	[sflag:s26] =	ssyncadd.s32 $0xFFFFFC18  }
0x51: {  	[tilespmem:s28], [sflag:$0x3] =	stream.indirect.gather [spmem:s2], $0x8, s4, s25, $0xb8;
	[tilespmem:$0x1D520] =	vst v63  }
0x52: {  	_ =	swait.ge [sflag:s8], $0x1F40  }
0x53: {  	[sflag:s8] =	ssyncset.done $0x0  }
0x54: {  	s12 =	sadd.s32 $0x0, s22;
	[sflag:s8] =	ssyncadd.s32 $0xFFFFE0C0  }
0x55: {  	[tilespmem:s29], [sflag:$0x2] =	stream.linear.gather [hbm4b:s12+s4], $0x3E8, $0x38;
	[tilespmem:$0x1D520] =	vst v63  }
0x56: {  	s13 =	sadd.s32 $0x0, s21  }
0x57: {  	[tilespmem:s30], [sflag:$0x2] =	stream.linear.gather [hbm4b:s13+s4], $0x3E8, $0x38;
	[tilespmem:$0x1D520] =	vst v63  }
0x58: {  	_ =	swait.ge [sflag:s31], $0x1F40  }
0x59: {  	[sflag:s31] =	ssyncset.done $0x0  }
0x5a: {  	[sflag:s31] =	ssyncadd.s32 $0xFFFFE0C0  }
0x5b: {  	[spmem:s3] =	stream.indirect.scatter.add.f32 [tilespmem:s28], [sflag:$0x5], $0x8, s25, s25, $0xb8;
	[tilespmem:$0x1D520] =	vst v63  }
0x5c: {  	_ =	swait.ge [sflag:s0], $0x3E8  }
0x5d: {  	[sflag:s0] =	ssyncset.done $0x0  }
0x5e: {  	[sflag:s0] =	ssyncadd.s32 $0xFFFFFC18  }
0x5f: {  	_ =	swait.ge [sflag:s0], $0x3E8  }
0x60: {  	[sflag:s0] =	ssyncset.done $0x0  }
0x61: {  	[sflag:s0] =	ssyncadd.s32 $0xFFFFFC18  }
0x62: {  	[tilespmem:s1], [sflag:$0x4] =	stream.indirect.gather [spmem:s2], $0x8, s29, s25, $0xb8;
	[tilespmem:$0x1D520] =	vst v63  }
0x63: {  	_ =	swait.ge [sflag:s5], $0x1F40  }
0x64: {  	[sflag:s5] =	ssyncset.done $0x0  }
0x65: {  	s12 =	sadd.s32 $0x0, s20;
	[sflag:s5] =	ssyncadd.s32 $0xFFFFE0C0  }
0x66: {  	[tilespmem:s4], [sflag:$0x1] =	stream.linear.gather [hbm4b:s12+s4], $0x3E8, $0x38;
	[tilespmem:$0x1D520] =	vst v63  }
0x67: {  	s13 =	sadd.s32 $0x0, s19  }
0x68: {  	[tilespmem:s25], [sflag:$0x1] =	stream.linear.gather [hbm4b:s13+s4], $0x3E8, $0x38;
	[tilespmem:$0x1D520] =	vst v63  }
0x69: {  	_ =	swait.ge [sflag:s7], $0x1F40  }
0x6a: {  	[sflag:s7] =	ssyncset.done $0x0  }
0x6b: {  	s11 =	simm.s32 $0xFA;
	[sflag:s7] =	ssyncadd.s32 $0xFFFFE0C0  }
.LBB2_2:
0x6c: {  	[spmem:s3] =	stream.indirect.scatter.add.f32 [tilespmem:s1], [sflag:$0x6], $0x8, s30, s25, $0xb8;
	[tilespmem:$0x1D520] =	vst v63  }
0x6d: {  	s12 =	smov.u32 s11  }
0x6e: {  	p0 =	sne.s32 s11, $0x5EBA;
	s11 =	sadd.s32 $0xFA, s11;
	_ =	swait.ge [sflag:s26], $0x3E8  }
0x6f: {  	[sflag:s26] =	ssyncset.done $0x0  }
0x70: {  	[sflag:s26] =	ssyncadd.s32 $0xFFFFFC18  }
0x71: {  	_ =	swait.ge [sflag:s26], $0x3E8  }
0x72: {  	[sflag:s26] =	ssyncset.done $0x0  }
0x73: {  	[sflag:s26] =	ssyncadd.s32 $0xFFFFFC18  }
0x74: {  	[tilespmem:s28], [sflag:$0x3] =	stream.indirect.gather [spmem:s2], $0x8, s4, s25, $0xb8;
	[tilespmem:$0x1D520] =	vst v63  }
0x75: {  	_ =	swait.ge [sflag:s8], $0x1F40  }
0x76: {  	[sflag:s8] =	ssyncset.done $0x0  }
0x77: {  	s13 =	sadd.s32 s12, s22;
	[sflag:s8] =	ssyncadd.s32 $0xFFFFE0C0  }
0x78: {  	[tilespmem:s29], [sflag:$0x2] =	stream.linear.gather [hbm4b:s13+s4], $0x3E8, $0x38;
	[tilespmem:$0x1D520] =	vst v63  }
0x79: {  	s13 =	sadd.s32 s12, s21  }
0x7a: {  	[tilespmem:s30], [sflag:$0x2] =	stream.linear.gather [hbm4b:s13+s4], $0x3E8, $0x38;
	[tilespmem:$0x1D520] =	vst v63  }
0x7b: {  	_ =	swait.ge [sflag:s31], $0x1F40  }
0x7c: {  	[sflag:s31] =	ssyncset.done $0x0  }
0x7d: {  	[sflag:s31] =	ssyncadd.s32 $0xFFFFE0C0  }
0x7e: {  	[spmem:s3] =	stream.indirect.scatter.add.f32 [tilespmem:s28], [sflag:$0x5], $0x8, s25, s25, $0xb8;
	[tilespmem:$0x1D520] =	vst v63  }
0x7f: {  	_ =	swait.ge [sflag:s0], $0x3E8  }
0x80: {  	[sflag:s0] =	ssyncset.done $0x0  }
0x81: {  	[sflag:s0] =	ssyncadd.s32 $0xFFFFFC18  }
0x82: {  	_ =	swait.ge [sflag:s0], $0x3E8  }
0x83: {  	[sflag:s0] =	ssyncset.done $0x0  }
0x84: {  	[sflag:s0] =	ssyncadd.s32 $0xFFFFFC18  }
0x85: {  	[tilespmem:s1], [sflag:$0x4] =	stream.indirect.gather [spmem:s2], $0x8, s29, s25, $0xb8;
	[tilespmem:$0x1D520] =	vst v63  }
0x86: {  	_ =	swait.ge [sflag:s5], $0x1F40  }
0x87: {  	[sflag:s5] =	ssyncset.done $0x0  }
0x88: {  	s13 =	sadd.s32 s12, s20;
	[sflag:s5] =	ssyncadd.s32 $0xFFFFE0C0  }
0x89: {  	[tilespmem:s4], [sflag:$0x1] =	stream.linear.gather [hbm4b:s13+s4], $0x3E8, $0x38;
	[tilespmem:$0x1D520] =	vst v63  }
.Ltmp0:
0x8a: {  	s12 =	sadd.s32 s12, s19;
	(pc) =	sbr.rel @p0 .LBB2_2-.Ltmp0, $4  }
0x8b: {  	[tilespmem:s25], [sflag:$0x1] =	stream.linear.gather [hbm4b:s12+s4], $0x3E8, $0x38;
	[tilespmem:$0x1D520] =	vst v63  }
0x8c: {  	_ =	swait.ge [sflag:s7], $0x1F40  }
0x8d: {  	[sflag:s7] =	ssyncset.done $0x0  }
0x8e: {  	[sflag:s7] =	ssyncadd.s32 $0xFFFFE0C0  }
0x8f: {  	[spmem:s3] =	stream.indirect.scatter.add.f32 [tilespmem:s1], [sflag:$0x6], $0x8, s30, s25, $0xb8;
	[tilespmem:$0x1D520] =	vst v63  }
0x90: {  	_ =	swait.ge [sflag:s26], $0x3E8  }
0x91: {  	[sflag:s26] =	ssyncset.done $0x0  }
0x92: {  	[sflag:s26] =	ssyncadd.s32 $0xFFFFFC18  }
0x93: {  	_ =	swait.ge [sflag:s26], $0x3E8  }
0x94: {  	[sflag:s26] =	ssyncset.done $0x0  }
0x95: {  	[sflag:s26] =	ssyncadd.s32 $0xFFFFFC18  }
0x96: {  	[tilespmem:s28], [sflag:$0x3] =	stream.indirect.gather [spmem:s2], $0x8, s4, s25, $0xb8;
	[tilespmem:$0x1D520] =	vst v63  }
0x97: {  	_ =	swait.ge [sflag:s8], $0x1F40  }
0x98: {  	[sflag:s8] =	ssyncset.done $0x0  }
0x99: {  	[sflag:s8] =	ssyncadd.s32 $0xFFFFE0C0  }
0x9a: {  	[tilespmem:s29], [sflag:$0x2] =	stream.linear.gather [hbm4b:s17+s4], $0x3E8, $0x38;
	[tilespmem:$0x1D520] =	vst v63  }
0x9b: {  	_ = 	snop  }
0x9c: {  	[tilespmem:s30], [sflag:$0x2] =	stream.linear.gather [hbm4b:s18+s4], $0x3E8, $0x38;
	[tilespmem:$0x1D520] =	vst v63  }
0x9d: {  	_ =	swait.ge [sflag:s31], $0x1F40  }
0x9e: {  	[sflag:s31] =	ssyncset.done $0x0  }
0x9f: {  	[sflag:s31] =	ssyncadd.s32 $0xFFFFE0C0  }
0xa0: {  	[spmem:s3] =	stream.indirect.scatter.add.f32 [tilespmem:s28], [sflag:$0x5], $0x8, s25, s25, $0xb8;
	[tilespmem:$0x1D520] =	vst v63  }
0xa1: {  	_ =	swait.ge [sflag:s0], $0x3E8  }
0xa2: {  	[sflag:s0] =	ssyncset.done $0x0  }
0xa3: {  	[sflag:s0] =	ssyncadd.s32 $0xFFFFFC18  }
0xa4: {  	_ =	swait.ge [sflag:s0], $0x3E8  }
0xa5: {  	[sflag:s0] =	ssyncset.done $0x0  }
0xa6: {  	[sflag:s0] =	ssyncadd.s32 $0xFFFFFC18  }
0xa7: {  	[tilespmem:s1], [sflag:$0x4] =	stream.indirect.gather [spmem:s2], $0x8, s29, s25, $0xb8;
	[tilespmem:$0x1D520] =	vst v63  }
0xa8: {  	_ =	swait.ge [sflag:s7], $0x1F40  }
0xa9: {  	[sflag:s7] =	ssyncset.done $0x0  }
0xaa: {  	[sflag:s7] =	ssyncadd.s32 $0xFFFFE0C0  }
0xab: {  	[spmem:s3] =	stream.indirect.scatter.add.f32 [tilespmem:s1], [sflag:$0x6], $0x8, s30, s25, $0xb8;
	[tilespmem:$0x1D520] =	vst v63  }
0xac: {  	_ =	swait.ge [sflag:s5], $0x1F40  }
0xad: {  	[sflag:s5] =	ssyncset.done $0x0  }
0xae: {  	[sflag:s5] =	ssyncadd.s32 $0xFFFFE0C0  }
0xaf: {  	_ =	swait.ge [sflag:s8], $0x1F40  }
0xb0: {  	[sflag:s8] =	ssyncset.done $0x0  }
0xb1: {  	[sflag:s8] =	ssyncadd.s32 $0xFFFFE0C0  }
0xb2: {  	[bflag:$0x0] =	sbarrier.arrive $0xFFFF  }
0xb3: {  	s11 =	rddreg [dreg:$0x9]  }
0xb4: {  	[hbm:s11], [sflag:s6] =	dma.local [spmem:s10], $0x1870  }
0xb5: {  	_ =	swait.ge [sflag:s24], $0x1870  }
0xb6: {  	s9 =	sadd.s32 $0x1, s9;
	s13 =	rddreg [dreg:$0xa]  }
0xb7: {  	p0 =	sne.s32 s9, s13  }
.Ltmp1:
0xb8: {  	_ = 	snop;
	(pc) =	sbr.rel @p0 .LBB2_1-.Ltmp1, $3  }
0xb9: {  	_ =	sdelay $0x1  }
0xba: {  	[sflag:s24] =	ssyncset.done $0x0  }
0xbb: {  	[sflag:s24] =	ssyncadd.s32 $0xFFFFE790  }
0xbc: {  	_ =	sfence.sel $0x180000  }
0xbd: {  	[bflag:$0x0] =	sbarrier.arrive $0xFFFF  }
0xbe: {  	_ =	strace $0x9000004D  }
0xbf: {  	s0 =	stileid.u32;
	[bflag:$0x2] =	sbarrier.arrive $0xFFFF  }
0xc0: {  	p0 =	sne.s32 s0, $0x0;
	s0 =	rddreg [dreg:$0x3]  }
0xc1: {  	s0 =	sadd.s32 @!p0 $0x100000, s0  }
0xc2: {  	[sflag:s0] =	ssyncadd.tile.s32 @!p0 $0x1;
	_ =	shalt  }
.Lfunc_end2:
_tile_overlayer_lowered:
.L_overlay_start_2:
0xc3: {  	(tag) =	ssettag $0x2  }
0xc4: {  	s0 =	rddreg [dreg:$0x0];
	s2 =	stileid.u32  }
0xc5: {  	s1 =	rddreg [dreg:$0x1];
	p0 =	sne.s32 s2, $0x0  }
0xc6: {  	s3 =	rddreg [dreg:$0x2];
	[bflag:$0x3] =	sbarrier.arrive $0xFFFF;
	s2 =	simm.s32 @!p0 $0x1C07  }
0xc7: {  	[timem:s3], [sflag:s2] =	dma.local @!p0 [hbm:s0], s1  }
0xc8: {  	s0 =	simm.s32 @!p0 $0x7  }
0xc9: {  	_ =	swait.ge @!p0 [sflag:s0], s1  }
0xca: {  	s1 =	ssub.s32 @!p0 $0x0, s1;
	[sflag:s0] =	ssyncset.done @!p0 $0x0  }
0xcb: {  	[sflag:s0] =	ssyncadd.s32 @!p0 s1  }
0xcc: {  	[bflag:$0x3] =	sbarrier.arrive $0xFFFF  }
0xcd: {  	_ =	shalt  }

// kernel: kernel.8.cloned.1.call-start
scs
__scs_entry_jumppad:
0x0: {  	(pc) =	sbr.rel $0x88, $3  }
0x1: {  	(tag) =	ssettag $0x0;
	lr =	simm.s32 $0x1  }
0x2: {  	[smem:$0x3F99] =	sst lr;
	_ =	strace $0xD0000000  }
0x3: {  	_ = 	snop  }
0x4: {  	_ = 	snop  }
0x5: {  	_ = 	snop  }
0x6: {  	_ = 	snop  }
0x7: {  	_ = 	snop  }
__scs_overlays_trampoline_lowered:
0x8: {  	[smem:$0x3FA8] =	sst s0  }
0x9: {  	[smem:$0x3FA9] =	sst s1  }
0xa: {  	[smem:$0x3FAA] =	sst s2  }
0xb: {  	[smem:$0x3FAB] =	sst s3  }
0xc: {  	[smem:$0x3FAC] =	sst s4  }
0xd: {  	[smem:$0x3FAD] =	sst s5  }
0xe: {  	[smem:$0x3FAE] =	sst s6  }
0xf: {  	[smem:$0x3FAF] =	sst s7  }
0x10: {  	[smem:$0x3FB0] =	sst s8  }
0x11: {  	[smem:$0x3FB1] =	sst s9;
	s0 =	simm.s32 @!p0 $0x0  }
0x12: {  	s1 =	sld [smem:$0x3F97];
	s0 =	simm.s32 @p0 $0x1  }
0x13: {  	[smem:$0x3FB2] =	sst s0;
	s0 =	simm.s32 @!p1 $0x0  }
0x14: {  	s2 =	sld [smem:$0x3F96];
	s0 =	simm.s32 @p1 $0x1  }
0x15: {  	[smem:$0x3FB3] =	sst s0;
	s0 =	simm.s32 @!p2 $0x0  }
0x16: {  	s3 =	sld [smem:$0x3FDB];
	s0 =	simm.s32 @p2 $0x1  }
0x17: {  	s4 =	simm.s32 $0x1BF5;
	[smem:$0x3FB5] =	sst s0  }
0x18: {  	s0 =	sld [smem:$0x3F98];
	_ =	swait.ge [sflag:s4], $0x0  }
0x19: {  	s7 =	sld [smem:$0x3F99]  }
0x1a: {  	s8 =	sadd.s32 $0xFFFFE003, lr  }
0x1b: {  	s9 =	sadd.s32 $0xFFFFFEF7, lr;
	s5 =	simm.s32 $0xFFFFFFFF;
	p2 =	slt.u32 s8, $0xFFFFF086  }
0x1c: {  	p1 =	slt.u32 s9, $0xF7A;
	s5 =	simm.s32 @!p2 $0x0  }
0x1d: {  	s5 =	simm.s32 @p1 $0x1;
	p0 =	seq.s32 s7, s2  }
0x1e: {  	s7 =	smul.u32 @!p0 $0xF7A, s2;
	p2 =	seq.s32 @!p0 s5, $0x0  }
0x1f: {  	s9 =	smul.u32 $0xF7A, s1;
	s8 =	simm.s32 @!p0 $0x1BF5;
	p2 =	por !p2, p0  }
0x20: {  	[sflag:s8] =	ssyncset.s32 @!p0 $0xFFFFF086;
	s6 =	sadd.s32 @!p0 s3, s7;
	s7 =	simm.s32 @!p0 $0x108  }
0x21: {  	s3 =	sadd.s32 s3, s9;
	s6 =	sadd.s32 @!p0 $0x88, s6;
	s7 =	simm.s32 @p2 $0x1082  }
0x22: {  	[simem:s7], [sflag:s8] =	dma.local @!p0 [hbm:s6], $0xF7A  }
0x23: {  	s9 =	sor.u32 $0xD0000000, s2;
	s6 =	simm.s32 $0x108;
	_ =	swait.ge @!p0 [sflag:s8], $0x0  }
0x24: {  	s3 =	sadd.s32 $0x88, s3;
	s6 =	simm.s32 @!p1 $0x1082;
	[sflag:s4] =	ssyncset.s32 $0xFFFFF086  }
0x25: {  	[simem:s6], [sflag:s4] =	dma.local [hbm:s3], $0xF7A  }
0x26: {  	[smem:$0x3F99] =	sst s1;
	(tag) =	ssettag s2;
	_ =	strace s9  }
0x27: {  	s1 =	sld [smem:$0x3FA9]  }
0x28: {  	s2 =	sld [smem:$0x3FAA]  }
0x29: {  	s4 =	sld [smem:$0x3FAC]  }
0x2a: {  	p0 =	seq.s32 s5, $0x0;
	s5 =	sld [smem:$0x3FAD]  }
0x2b: {  	s6 =	sld [smem:$0x3FAE]  }
0x2c: {  	s7 =	sld [smem:$0x3FAF]  }
0x2d: {  	s3 =	simm.s32 $0x108;
	s8 =	sld [smem:$0x3FB0]  }
0x2e: {  	s3 =	simm.s32 @!p0 $0x1082;
	s9 =	sld [smem:$0x3FB1]  }
0x2f: {  	lr =	sadd.s32 s0, s3;
	s0 =	sld [smem:$0x3FA8]  }
0x30: {  	s3 =	sld [smem:$0x3FAB]  }
0x31: {  	[smem:$0x3FB4] =	sst s10  }
0x32: {  	s10 =	sld [smem:$0x3FB2];
	_ =	sdelay $0x3  }
0x33: {  	p0 =	seq.s32 s10, $0x1;
	s10 =	sld [smem:$0x3FB4];
	_ =	sdelay $0x3  }
0x34: {  	[smem:$0x3FB4] =	sst s10  }
0x35: {  	s10 =	sld [smem:$0x3FB3];
	_ =	sdelay $0x3  }
0x36: {  	p1 =	seq.s32 s10, $0x1;
	s10 =	sld [smem:$0x3FB4];
	_ =	sdelay $0x3  }
0x37: {  	[smem:$0x3FB4] =	sst s10  }
0x38: {  	s10 =	sld [smem:$0x3FB5]  }
0x39: {  	_ = 	snop;
	(pc) =	sbr.ind lr, $3  }
0x3a: {  	_ = 	snop  }
0x3b: {  	_ = 	snop  }
0x3c: {  	p2 =	seq.s32 s10, $0x1;
	s10 =	sld [smem:$0x3FB4]  }
0x3d: {  	_ =	shalt  }
0x3e: {  	_ =	shalt  }
0x3f: {  	_ =	shalt  }
0x40: {  	_ =	shalt  }
0x41: {  	_ =	shalt  }
0x42: {  	_ =	shalt  }
0x43: {  	_ =	shalt  }
0x44: {  	_ =	shalt  }
0x45: {  	_ =	shalt  }
0x46: {  	_ =	shalt  }
0x47: {  	_ =	shalt  }
0x48: {  	_ =	shalt  }
0x49: {  	_ =	shalt  }
0x4a: {  	_ =	shalt  }
0x4b: {  	_ =	shalt  }
0x4c: {  	_ =	shalt  }
0x4d: {  	_ =	shalt  }
0x4e: {  	_ =	shalt  }
0x4f: {  	_ =	shalt  }
0x50: {  	_ =	shalt  }
0x51: {  	_ =	shalt  }
0x52: {  	_ =	shalt  }
0x53: {  	_ =	shalt  }
0x54: {  	_ =	shalt  }
0x55: {  	_ =	shalt  }
0x56: {  	_ =	shalt  }
0x57: {  	_ =	shalt  }
0x58: {  	_ =	shalt  }
0x59: {  	_ =	shalt  }
0x5a: {  	_ =	shalt  }
0x5b: {  	_ =	shalt  }
0x5c: {  	_ =	shalt  }
0x5d: {  	_ =	shalt  }
0x5e: {  	_ =	shalt  }
0x5f: {  	_ =	shalt  }
0x60: {  	_ =	shalt  }
0x61: {  	_ =	shalt  }
0x62: {  	_ =	shalt  }
0x63: {  	_ =	shalt  }
0x64: {  	_ =	shalt  }
0x65: {  	_ =	shalt  }
0x66: {  	_ =	shalt  }
0x67: {  	_ =	shalt  }
0x68: {  	_ =	shalt  }
0x69: {  	_ =	shalt  }
0x6a: {  	_ =	shalt  }
0x6b: {  	_ =	shalt  }
0x6c: {  	_ =	shalt  }
0x6d: {  	_ =	shalt  }
0x6e: {  	_ =	shalt  }
0x6f: {  	_ =	shalt  }
0x70: {  	_ =	shalt  }
0x71: {  	_ =	shalt  }
0x72: {  	_ =	shalt  }
0x73: {  	_ =	shalt  }
0x74: {  	_ =	shalt  }
0x75: {  	_ =	shalt  }
0x76: {  	_ =	shalt  }
0x77: {  	_ =	shalt  }
0x78: {  	_ =	shalt  }
0x79: {  	_ =	shalt  }
0x7a: {  	_ =	shalt  }
0x7b: {  	_ =	shalt  }
0x7c: {  	_ =	shalt  }
0x7d: {  	_ =	shalt  }
0x7e: {  	_ =	shalt  }
0x7f: {  	_ =	shalt  }
0x80: {  	_ =	shalt  }
0x81: {  	_ =	shalt  }
0x82: {  	_ =	shalt  }
0x83: {  	_ =	shalt  }
0x84: {  	_ =	shalt  }
0x85: {  	_ =	shalt  }
0x86: {  	_ =	shalt  }
0x87: {  	_ =	shalt  }
.Lfunc_end0:
.L_simem_size_0:
called_computation_lowered:
.L_overlay_start_0:
0x88: {  	s2 =	sld [smem:$0x3FD9]  }
0x89: {  	s3 =	sld [smem:$0x3FFE];
	_ =	sdelay $0x1  }
0x8a: {  	s1 =	srdreg.scid  }
0x8b: {  	s0 =	sand.u32 $0x1, s1  }
0x8c: {  	s16 =	sshll.u32 s0, $0xA;
	s2 =	sadd.s32 s3, s2  }
0x8d: {  	s2 =	sadd.s32 s2, s16  }
0x8e: {  	[smem:$0x3FC0] =	sst s2  }
0x8f: {  	_ = 	snop  }
0x90: {  	(tm) =	ssettm $0x1  }
0x91: {  	s17 =	sld [smem:$0x3FFB];
	_ =	sdelay $0x3  }
0x92: {  	_ =	strace s17  }
0x93: {  	s2 =	sld [smem:$0x3FFC];
	_ =	sdelay $0x3  }
0x94: {  	_ =	strace s2  }
0x95: {  	s2 =	sld [smem:$0x3FFD];
	_ =	sdelay $0x3  }
0x96: {  	_ =	strace s2  }
0x97: {  	_ =	strace $0x8FFFFFFF  }
0x98: {  	s18 =	sld [smem:$0x3FDB];
	_ =	sdelay $0x1  }
0x99: {  	s19 =	simm.s32 $_scs_section_size  }
0x9a: {  	s4 =	simm.s32 $_size__tile_overlayer_lowered;
	s5 =	simm.s32 $_tile_overlayer_lowered  }
0x9b: {  	s22 =	simm.s32 $0x1BFF;
	s21 =	sshll.u32 s5, $0x1;
	s2 =	sadd.s32 s19, s18  }
0x9c: {  	s6 =	simm.s32 $0x0;
	s20 =	sshll.u32 s4, $0x1;
	s4 =	sadd.s32 s21, s2  }
0x9d: {  	[timem:s6], [sflag:s22] =	dma.local [hbm:s4], s20  }
0x9e: {  	_ =	swait.ge [sflag:s22], s20  }
0x9f: {  	s3 =	ssub.s32 $0x0, s20;
	[sflag:s22] =	ssyncset.done $0x0  }
0xa0: {  	[sflag:s22] =	ssyncadd.s32 s3;
	_ =	sdelay $0x1  }
0xa1: {  	s23 =	simm.s32 $0x1B8B  }
0xa2: {  	_ =	swait.ge [sflag:s23], $0x1  }
0xa3: {  	[sflag:s23] =	ssyncset.done $0x0  }
0xa4: {  	s25 =	simm.s32 $0x1B8E;
	s24 =	sld [smem:$0x3FFE];
	[sflag:s23] =	ssyncadd.s32 $0xFFFFFFFF  }
0xa5: {  	s26 =	simm.s32 $execute0_lowered;
	[smem:$0x3FD2] =	sst s25  }
0xa6: {  	s4 =	sshll.u32 s26, $0x1;
	_ =	strace $0x80000046;
	[dreg:$0x1] =	wrdreg $0xFFFFFFFF  }
0xa7: {  	s28 =	simm.s32 $_size_execute0_lowered;
	s2 =	sadd.s32 s2, s4;
	[dreg:$0x0] =	wrdreg $0x0  }
0xa8: {  	s4 =	sshll.u32 s28, $0x1;
	[dreg:$0x2] =	wrdreg s2  }
0xa9: {  	[dreg:$0x3] =	wrdreg s4  }
0xaa: {  	[dreg:$0x4] =	wrdreg $0xC0  }
0xab: {  	_ =	task [dreg:s6], $0x5FFFF  }
0xac: {  	[dreg:$0x1] =	wrdreg $0xFFFFFFFF  }
0xad: {  	[dreg:$0x0] =	wrdreg $0x60  }
0xae: {  	[dreg:$0x2] =	wrdreg s24  }
0xaf: {  	[dreg:$0x3] =	wrdreg $0x2EE00  }
0xb0: {  	[dreg:$0x4] =	wrdreg $0x9  }
0xb1: {  	_ =	task.clear_ibuf [dreg:s6], $0x5FFFF;
	_ =	strace $0x90000046  }
0xb2: {  	s29 =	simm.s32 $0x9;
	_ =	strace $0x80000048  }
0xb3: {  	_ =	swait.ge [sflag:s29], $0x1  }
0xb4: {  	[sflag:s29] =	ssyncadd.s32 $0xFFFFFFFF  }
0xb5: {  	_ =	strace $0x90000048  }
0xb6: {  	_ =	sfence  }
0xb7: {  	s30 =	sld [smem:$0x0];
	_ =	sdelay $0x2  }
0xb8: {  	s31 =	sshll.u32 s1, $0xD;
	s1 =	sshrl.u32 s1, $0x2  }
0xb9: {  	s3 =	sand.u32 $0x4000, s31;
	s1 =	sadd.s32 s1, s30  }
0xba: {  	s0 =	sor.u32 s3, s0;
	s1 =	sshll.u32 s1, $0x11  }
0xbb: {  	s0 =	sor.u32 s1, s0  }
0xbc: {  	s0 =	sadd.s32 $0x8F2B, s0  }
0xbd: {  	[sflag:s0] =	ssyncadd.remote.s32 $0x1  }
0xbe: {  	_ =	sfence.sel $0xFFFF  }
0xbf: {  	[dreg:$0x0] =	wrdreg $0xFFFFFFFF;
	(pc) =	sbr.abs _section_cstart, $3  }
0xc0: {  	[dreg:$0x1] =	wrdreg $0xFFFFFFFF  }
0xc1: {  	_ =	task.clear_ibuf [dreg:s6], $0x2FFFF;
	_ =	strace $0x9FFFFFFF  }
0xc2: {  	(tm) =	ssettm $0x7FFFFFFF  }
0xc3: {  	_ =	shalt  }
tec
execute0_lowered:
.L_overlay_start_1:
0x0: {  	(tag) =	ssettag $0x1  }
0x1: {  	s4 =	rddreg [dreg:$0x0]  }
0x2: {  	s2 =	rddreg [dreg:$0x1]  }
0x3: {  	s0 =	rddreg [dreg:$0x2];
	s1 =	stileid.u32  }
0x4: {  	s3 =	simm.s32 $0x0;
	s6 =	srdreg.scid;
	s16 =	simm.s32 $0xFA0  }
0x5: {  	s17 =	simm.s32 $0x1F40;
	s18 =	simm.s32 $0x2;
	s19 =	simm.s32 $0x3  }
0x6: {  	s20 =	simm.s32 $0x4;
	s21 =	simm.s32 $0x0;
	s5 =	smul.u32 $0x1870, s1  }
0x7: {  	[smem:$0x7FF] =	sst s3;
	s6 =	sand.u32 $0x1, s6;
	s12 =	sadd.s32 $0x1C00, s4  }
0x8: {  	s9 =	sshll.u32 s1, $0x1;
	s25 =	smul.u32 $0x61A80, s1;
	s26 =	sshll.u32 s1, $0x6  }
0x9: {  	_ =	strace $0x80000047;
	s8 =	smul.u32 $0x18700, s6;
	s10 =	ssub.s32 $0x2, s6  }
0xa: {  	s9 =	sor.u32 s6, s9;
	s14 =	smul.u32 $0x30D40, s6;
	s7 =	sshrl.u32 s5, $0x3  }
0xb: {  	s11 =	sshrl.u32 s10, $0x1;
	s9 =	smul.u32 $0x30D40, s9;
	s13 =	sadd.s32 s5, s2  }
0xc: {  	s7 =	sadd.s32 s7, s4;
	s8 =	sadd.s32 s5, s8;
	s10 =	ssub.s32 s10, s11  }
0xd: {  	s5 =	sor.u32 $0x1C05, s26;
	s29 =	sadd.s32 s14, s25;
	s13 =	sshrl.u32 s13, $0x3  }
0xe: {  	s14 =	simm.s32 $0x5;
	s8 =	sshrl.u32 s8, $0x3;
	s28 =	sshrl.u32 s9, $0x3  }
.Ltmp0:
0xf: {  	s30 =	sadd.s32 $0x3E80, s29;
	s11 =	sadd.s32 $0x2EE0, s29;
	(pc) =	sbr.rel .LBB2_1-.Ltmp0, $4  }
0x10: {  	s8 =	sadd.s32 s8, s4;
	s4 =	sadd.s32 $0x188800, s7;
	s6 =	sadd.s32 s12, s28  }
0x11: {  	s31 =	sshrl.u32 s30, $0x3;
	s15 =	sshrl.u32 s11, $0x3;
	s7 =	sadd.s32 $0x18BA00, s8  }
0x12: {  	s8 =	smax.u32 s10, $0x1;
	s9 =	sadd.s32 $0x1F4, s6;
	s10 =	sadd.s32 $0x3E8, s6  }
0x13: {  	v0 =	vimm.f32 $1.000000000e+00;
	s11 =	sadd.s32 s31, s12;
	s12 =	sadd.s32 s15, s12;
	s15 =	simm.s32 $0x1  }
.LBB2_6:
0x14: {  	_ =	swait.ge [sflag:s20], $0xFA0  }
0x15: {  	s21 =	sadd.s32 $0x1, s21;
	[sflag:s20] =	ssyncset.done $0x0  }
0x16: {  	p0 =	sne.s32 s21, s8;
	[sflag:s20] =	ssyncadd.s32 $0xFFFFF060  }
.Ltmp1:
0x17: {  	[bflag:$0x0] =	sbarrier.arrive $0xFFFF;
	(pc) =	sbr.rel @!p0 .LBB2_7-.Ltmp1, $4  }
0x18: {  	[hbm:s7], [sflag:s5] =	dma.local [spmem:s13], $0x30E  }
0x19: {  	_ =	swait.ge [sflag:s14], $0x30E  }
0x1a: {  	[sflag:s14] =	ssyncset.done $0x0  }
0x1b: {  	[sflag:s14] =	ssyncadd.s32 $0xFFFFFCF2  }
.LBB2_1:
0x1c: {  	s22 =	simm.s32 $0x40;
	s23 =	simm.s32 $0x0  }
.LBB2_2:
0x1d: {  	p0 =	sne.s32 s22, $0x3E40;
	[tilespmem:s23+$0x1F40] =	vst v0;
	s23 =	smov.u32 s22;
	s22 =	sadd.s32 $0x40, s22  }
.Ltmp2:
0x1e: {  	(pc) =	sbr.rel @p0 .LBB2_2-.Ltmp2, $2  }
0x1f: {  	_ =	sdelay $0x2  }
0x20: {  	s23 =	sshra.s32 s23, $0x2  }
0x21: {  	[tilespmem:s23+$0x1F40] =	vst v0  }
0x22: {  	[spmem:s13], [sflag:s5] =	dma.local [hbm:s4], $0x30E  }
0x23: {  	_ =	swait.ge [sflag:s14], $0x30E  }
0x24: {  	[sflag:s14] =	ssyncset.done $0x0  }
0x25: {  	[sflag:s14] =	ssyncadd.s32 $0xFFFFFCF2  }
0x26: {  	s22 =	simm.s32 $0x0;
	[bflag:$0x0] =	sbarrier.arrive $0xFFFF  }
0x27: {  	[tilespmem:s22], [sflag:$0x1] =	stream.linear.gather [hbm4b:s6+s22], $0xFA0, $0x38;
	[tilespmem:$0x4750] =	vst v63  }
0x28: {  	_ =	swait.ge [sflag:s15], $0xFA0  }
0x29: {  	[sflag:s15] =	ssyncset.done $0x0  }
0x2a: {  	[sflag:s15] =	ssyncadd.s32 $0xFFFFF060  }
0x2b: {  	[spmem:s2] =	stream.indirect.scatter.add.f32 [tilespmem:s17], [sflag:$0x3], $0x1, s22, s16, $0xb8;
	[tilespmem:$0x4750] =	vst v63  }
0x2c: {  	_ = 	snop  }
0x2d: {  	[tilespmem:s16], [sflag:$0x2] =	stream.linear.gather [hbm4b:s9+s22], $0xFA0, $0x38;
	[tilespmem:$0x4750] =	vst v63  }
0x2e: {  	_ =	swait.ge [sflag:s18], $0xFA0  }
0x2f: {  	[sflag:s18] =	ssyncset.done $0x0  }
0x30: {  	[sflag:s18] =	ssyncadd.s32 $0xFFFFF060  }
0x31: {  	[spmem:s2] =	stream.indirect.scatter.add.f32 [tilespmem:s17], [sflag:$0x4], $0x1, s16, s16, $0xb8;
	[tilespmem:$0x4750] =	vst v63  }
0x32: {  	_ =	swait.ge [sflag:s19], $0xFA0  }
0x33: {  	[sflag:s19] =	ssyncset.done $0x0  }
0x34: {  	[sflag:s19] =	ssyncadd.s32 $0xFFFFF060  }
0x35: {  	[tilespmem:s22], [sflag:$0x1] =	stream.linear.gather [hbm4b:s10+s22], $0xFA0, $0x38;
	[tilespmem:$0x4750] =	vst v63  }
.LBB2_4:
0x36: {  	_ =	swait.ge [sflag:s15], $0xFA0  }
0x37: {  	[sflag:s15] =	ssyncset.done $0x0  }
0x38: {  	[sflag:s15] =	ssyncadd.s32 $0xFFFFF060  }
0x39: {  	[spmem:s2] =	stream.indirect.scatter.add.f32 [tilespmem:s17], [sflag:$0x3], $0x1, s3, s16, $0xb8;
	[tilespmem:$0x4750] =	vst v63  }
0x3a: {  	_ =	swait.ge [sflag:s20], $0xFA0  }
0x3b: {  	[sflag:s20] =	ssyncset.done $0x0  }
0x3c: {  	s23 =	sadd.s32 s22, s12;
	[sflag:s20] =	ssyncadd.s32 $0xFFFFF060  }
0x3d: {  	[tilespmem:s16], [sflag:$0x2] =	stream.linear.gather [hbm4b:s23+s3], $0xFA0, $0x38;
	[tilespmem:$0x4750] =	vst v63  }
0x3e: {  	_ =	swait.ge [sflag:s18], $0xFA0  }
0x3f: {  	p0 =	seq.s32 s22, $0x59D8;
	[sflag:s18] =	ssyncset.done $0x0  }
.Ltmp3:
0x40: {  	[sflag:s18] =	ssyncadd.s32 $0xFFFFF060;
	(pc) =	sbr.rel @p0 .LBB2_6-.Ltmp3, $4  }
0x41: {  	[spmem:s2] =	stream.indirect.scatter.add.f32 [tilespmem:s17], [sflag:$0x4], $0x1, s16, s16, $0xb8;
	[tilespmem:$0x4750] =	vst v63  }
0x42: {  	_ =	swait.ge [sflag:s19], $0xFA0  }
0x43: {  	[sflag:s19] =	ssyncset.done $0x0  }
0x44: {  	[sflag:s19] =	ssyncadd.s32 $0xFFFFF060  }
.Ltmp4:
0x45: {  	(pc) =	sbr.rel .LBB2_4-.Ltmp4, $3  }
0x46: {  	_ =	sdelay $0x1  }
0x47: {  	s23 =	sadd.s32 s22, s11;
	s22 =	sadd.s32 $0x3E8, s22  }
0x48: {  	[tilespmem:s3], [sflag:$0x1] =	stream.linear.gather [hbm4b:s23+s3], $0xFA0, $0x38;
	[tilespmem:$0x4750] =	vst v63  }
.LBB2_7:
0x49: {  	_ =	sfence.sel $0x180000  }
0x4a: {  	[bflag:$0x0] =	sbarrier.arrive $0xFFFF  }
0x4b: {  	p0 =	sne.s32 s1, $0x0;
	_ =	strace $0x90000047  }
0x4c: {  	s0 =	sadd.s32 @!p0 $0x100000, s0;
	[bflag:$0x2] =	sbarrier.arrive $0xFFFF  }
0x4d: {  	[sflag:s0] =	ssyncadd.tile.s32 @!p0 $0x1;
	_ =	shalt  }
.Lfunc_end2:
_tile_overlayer_lowered:
.L_overlay_start_2:
0x4e: {  	(tag) =	ssettag $0x2  }
0x4f: {  	s0 =	rddreg [dreg:$0x0];
	s2 =	stileid.u32  }
0x50: {  	s1 =	rddreg [dreg:$0x1];
	p0 =	sne.s32 s2, $0x0  }
0x51: {  	s3 =	rddreg [dreg:$0x2];
	[bflag:$0x3] =	sbarrier.arrive $0xFFFF;
	s2 =	simm.s32 @!p0 $0x1C05  }
0x52: {  	[timem:s3], [sflag:s2] =	dma.local @!p0 [hbm:s0], s1  }
0x53: {  	s0 =	simm.s32 @!p0 $0x5  }
0x54: {  	_ =	swait.ge @!p0 [sflag:s0], s1  }
0x55: {  	s1 =	ssub.s32 @!p0 $0x0, s1;
	[sflag:s0] =	ssyncset.done @!p0 $0x0  }
0x56: {  	[sflag:s0] =	ssyncadd.s32 @!p0 s1  }
0x57: {  	[bflag:$0x3] =	sbarrier.arrive $0xFFFF  }
0x58: {  	_ =	shalt  }

</sc_bundles>
